<compile_context>
chip_gen: v7x
topology: tpu7x:2x2x1
jax: 0.10.2.dev20260603
libtpu: 0.0.44.dev20260713+nightly
codegen_flags: <defaults>
</compile_context>

<pallas_src>
import functools

import jax
import jax.numpy as jnp
from jax import lax
from jax.experimental import pallas as pl
from jax.experimental.pallas import tpu as pltpu
from jax.experimental.pallas import tpu_sc as plsc

S = 4096
DIM = 2048
K = 2048
SB = 512
QB = 256


def _topk_body(scol_ref, srow_ref, idx_ref):
    scol = scol_ref[...]
    srow = srow_ref[...]
    nb = S // SB
    r0 = lax.broadcasted_iota(jnp.int32, (SB, SB), 0)
    c0 = lax.broadcasted_iota(jnp.int32, (SB, SB), 1)
    eye = r0 == c0
    rc = [None] * nb
    rr = [None] * nb
    for a in range(nb):
        sa_col = scol[a * SB:(a + 1) * SB, :]
        sa_row = srow[:, a * SB:(a + 1) * SB]
        rel = (sa_row > sa_col) | ((sa_row == sa_col) & (c0 < r0))
        rc[a] = jnp.sum(jnp.where(rel, 1.0, 0.0), axis=1, keepdims=True)
        for b in range(a + 1, nb):
            sb_row = srow[:, b * SB:(b + 1) * SB]
            gt = jnp.where(sb_row > sa_col, 1.0, 0.0)
            rc[a] = rc[a] + jnp.sum(gt, axis=1, keepdims=True)
            cs = jnp.sum(gt, axis=0, keepdims=True)
            rr[b] = (SB - cs) if rr[b] is None else rr[b] + (SB - cs)
    rrow = jnp.concatenate(
        [jnp.sum(jnp.where(eye, rc[b], 0.0), axis=0, keepdims=True)
         + (rr[b] if rr[b] is not None else 0.0) for b in range(nb)], axis=1)
    tok = lax.broadcasted_iota(jnp.int32, (SB, S), 1).astype(jnp.float32)
    for ob in range(K // SB):
        rcol = (lax.broadcasted_iota(jnp.int32, (SB, S), 0)
                + ob * SB).astype(jnp.float32)
        hit = rrow == rcol
        idxb = jnp.sum(jnp.where(hit, tok, 0.0), axis=1, keepdims=True)
        idx_ref[pl.ds(ob * SB, SB), :] = idxb.astype(jnp.int32)


def _topk(s_col, s_row):
    return pl.pallas_call(
        _topk_body,
        in_specs=[
            pl.BlockSpec((S, 1), lambda: (0, 0)),
            pl.BlockSpec((1, S), lambda: (0, 0)),
        ],
        out_specs=pl.BlockSpec((K, 1), lambda: (0, 0)),
        out_shape=jax.ShapeDtypeStruct((K, 1), jnp.int32),
    )(s_col, s_row)


_GCHUNK = 32


def _gather_sc(x2d, idx_flat):
    nw = 32
    rows_per_w = K // nw

    @functools.partial(
        pl.kernel,
        mesh=plsc.VectorSubcoreMesh(core_axis_name="c", subcore_axis_name="s"),
        out_type=jax.ShapeDtypeStruct((K, DIM), jnp.float32),
        scratch_types=[
            pltpu.VMEM((_GCHUNK,), jnp.int32),
            pltpu.VMEM((_GCHUNK, DIM), jnp.float32),
            pltpu.SemaphoreType.DMA,
        ],
    )
    def gather_k(x_hbm, idx_hbm, out_hbm, idx_v, rows_v, sem):
        wid = lax.axis_index("s") * 2 + lax.axis_index("c")
        for c in range(rows_per_w // _GCHUNK):
            base = wid * rows_per_w + c * _GCHUNK
            pltpu.sync_copy(idx_hbm.at[pl.ds(base, _GCHUNK)], idx_v)
            pltpu.async_copy(x_hbm.at[idx_v], rows_v, sem).wait()
            pltpu.sync_copy(rows_v, out_hbm.at[pl.ds(base, _GCHUNK)])

    return gather_k(x2d, idx_flat)


def _quant_fused_body(sel_ref, q1_ref, bq1_ref, q2_ref, bq2_ref, out_ref,
                      selbuf, sum_ref, amax_ref):
    i = pl.program_id(0)
    nb = K // QB

    @pl.when(i < nb)
    def _():
        blk = sel_ref[...]
        selbuf[pl.ds(i * QB, QB), :] = blk
        psum = jnp.sum(blk, axis=0, keepdims=True)
        pmax = jnp.max(jnp.abs(blk), axis=0, keepdims=True)

        @pl.when(i == 0)
        def _():
            sum_ref[...] = psum
            amax_ref[...] = pmax

        @pl.when(i > 0)
        def _():
            sum_ref[...] = sum_ref[...] + psum
            amax_ref[...] = jnp.maximum(amax_ref[...], pmax)

    @pl.when(i == nb - 1)
    def _():
        m = sum_ref[...] * jnp.float32(1.0 / K)
        t1 = jnp.dot(m, q1_ref[...], preferred_element_type=jnp.float32)
        t1 = jnp.maximum(t1 + bq1_ref[...], 0.0)
        logits = jnp.dot(t1, q2_ref[...],
                         preferred_element_type=jnp.float32) + bq2_ref[...]
        e = jnp.exp(logits - jnp.max(logits, axis=1, keepdims=True))
        p = e / jnp.sum(e, axis=1, keepdims=True)
        lane = lax.broadcasted_iota(jnp.int32, (1, 8), 1)
        pm = jnp.max(p, axis=1, keepdims=True)
        amx = jnp.min(jnp.where(p == pm, lane, 8), axis=1, keepdims=True)
        bits = amx + 1
        pow2 = jnp.left_shift(1, bits).astype(jnp.float32)
        amax_ref[...] = amax_ref[...] / pow2[0, 0]

    @pl.when(i >= nb)
    def _():
        j = i - nb
        step = amax_ref[...]
        q = selbuf[pl.ds(j * QB, QB), :] / step
        out_ref[...] = jnp.round(q) * step


def _quant_fused(sel, Q1, bq1r, Q2, bq2r):
    nb = K // QB
    return pl.pallas_call(
        _quant_fused_body,
        grid=(2 * nb,),
        in_specs=[
            pl.BlockSpec((QB, DIM), lambda i: (jnp.minimum(i, nb - 1), 0)),
            pl.BlockSpec((DIM, DIM // 4), lambda i: (0, 0)),
            pl.BlockSpec((1, DIM // 4), lambda i: (0, 0)),
            pl.BlockSpec((DIM // 4, 8), lambda i: (0, 0)),
            pl.BlockSpec((1, 8), lambda i: (0, 0)),
        ],
        out_specs=pl.BlockSpec((QB, DIM),
                               lambda i: (jnp.maximum(i - nb, 0), 0)),
        out_shape=jax.ShapeDtypeStruct((K, DIM), jnp.float32),
        scratch_shapes=[
            pltpu.VMEM((K, DIM), jnp.float32),
            pltpu.VMEM((1, DIM), jnp.float32),
            pltpu.VMEM((1, DIM), jnp.float32),
        ],
    )(sel, Q1, bq1r, Q2, bq2r)


def kernel(x, W1, b1, ln_g, ln_b, W2, b2, Q1, bq1, Q2, bq2):
    x2d = x.reshape(S, DIM)
    t = x2d @ W1 + b1
    mu = jnp.mean(t, axis=-1, keepdims=True)
    var = jnp.mean((t - mu) ** 2, axis=-1, keepdims=True)
    h = jax.nn.relu((t - mu) / jnp.sqrt(var + 1e-5) * ln_g + ln_b)
    s = jax.nn.sigmoid(h @ W2 + b2)
    idx_col = _topk(s, s.reshape(1, S))
    sel = _gather_sc(x2d, idx_col.reshape(K))
    out = _quant_fused(sel, Q1, bq1.reshape(1, -1), Q2, bq2.reshape(1, -1))
    return out.reshape(1, K, DIM)

# --- scband reference (transcript-rebuilt; emitter-appended) ---
"""Pipeline reference for scband-enhanced-self-calibrating-attention-87754771792452 (READ-ONLY COPY).

The authoritative reference and input builder live on the scoring server;
editing this copy changes nothing except your own understanding.
"""

import jax, jax.numpy as jnp
import numpy as np

B = 1
S = 4096
DIM = 2048
MIN_R = 0.1
MAX_R = 0.9


def _layernorm(h, g, b, eps=1e-5):
    mu = jnp.mean(h, axis=-1, keepdims=True)
    var = jnp.mean((h - mu) ** 2, axis=-1, keepdims=True)
    return (h - mu) / jnp.sqrt(var + eps) * g + b


def setup_inputs(seed: int = 0) -> dict:
    key = jax.random.key(seed)
    ks = jax.random.split(key, 8)
    s = 0.02
    x = jax.random.normal(ks[0], (B, S, DIM), dtype=jnp.float32)
    # importance_scorer: Linear(dim, dim//2) -> LayerNorm -> ReLU -> Linear(dim//2, 1) -> Sigmoid
    W1 = jax.random.normal(ks[1], (DIM, DIM // 2), dtype=jnp.float32) * s
    b1 = jnp.zeros((DIM // 2,), dtype=jnp.float32)
    ln_g = jnp.ones((DIM // 2,), dtype=jnp.float32)
    ln_b = jnp.zeros((DIM // 2,), dtype=jnp.float32)
    W2 = jax.random.normal(ks[2], (DIM // 2, 1), dtype=jnp.float32) * s
    b2 = jnp.zeros((1,), dtype=jnp.float32)
    # quantization_net: Linear(dim, dim//4) -> ReLU -> Linear(dim//4, 8) -> Softmax
    Q1 = jax.random.normal(ks[3], (DIM, DIM // 4), dtype=jnp.float32) * s
    bq1 = jnp.zeros((DIM // 4,), dtype=jnp.float32)
    Q2 = jax.random.normal(ks[4], (DIM // 4, 8), dtype=jnp.float32) * s
    bq2 = jnp.zeros((8,), dtype=jnp.float32)
    return {"x": x, "W1": W1, "b1": b1, "ln_g": ln_g, "ln_b": ln_b, "W2": W2, "b2": b2,
            "Q1": Q1, "bq1": bq1, "Q2": Q2, "bq2": bq2}


def reference(x, W1, b1, ln_g, ln_b, W2, b2, Q1, bq1, Q2, bq2):
    batch_size, seq_len, _ = x.shape
    # importance scores [B, S, 1]
    h = jax.nn.relu(_layernorm(x @ W1 + b1, ln_g, ln_b))
    importance = jax.nn.sigmoid(h @ W2 + b2)
    # adaptive compression disabled -> fixed ratio = (max + min) / 2
    compression_ratio = (MAX_R + MIN_R) / 2.0
    num_tokens = int(seq_len * compression_ratio)
    # top-k over sequence by importance
    _, idx = jax.lax.top_k(importance[..., 0], num_tokens)  # [B, k]
    selected = jnp.take_along_axis(x, idx[..., None], axis=1)  # [B, k, DIM]
    # adaptive quantization
    m = jnp.mean(selected, axis=1)  # [B, DIM]
    quant_probs = jax.nn.softmax(jax.nn.relu(m @ Q1 + bq1) @ Q2 + bq2, axis=-1)  # [B, 8]
    num_bits = jnp.argmax(quant_probs, axis=1) + 1  # [B]
    scale = jnp.max(jnp.abs(selected), axis=1, keepdims=True)  # [B, 1, DIM]
    step = scale / (2.0 ** num_bits.reshape(-1, 1, 1).astype(jnp.float32))
    x_quant = jnp.round(selected / step) * step
    return x_quant

if __name__ == "__main__":
    import jax
    _d = setup_inputs()
    print(jax.jit(kernel)(*tuple(_d.values())))

</pallas_src>

<mosaic_0001>
#map = affine_map<(d0, d1) -> (0, 0)>
#map1 = affine_map<(d0, d1) -> (0)>
module attributes {stable_mosaic.version = 14 : i64} {
  func.func @gather_k(%arg0: i32, %arg1: i32, %arg2: memref<4096x2048xf32, #tpu.memory_space<hbm>>, %arg3: memref<2048xi32, #tpu.memory_space<hbm>>, %arg4: memref<2048x2048xf32, #tpu.memory_space<hbm>>, %arg5: memref<32xi32, #tpu.memory_space<vmem>>, %arg6: memref<32x2048xf32, #tpu.memory_space<vmem>>, %arg7: memref<!tpu.dma_semaphore, #tpu.memory_space<semaphore_mem>>) attributes {dimension_semantics = [#tpu.dimension_semantics<core_parallel>, #tpu.dimension_semantics<subcore_parallel>], iteration_bounds = array<i64: 2, 16>, scalar_prefetch = 0 : i64, scratch_operands = 3 : i64, tpu.core_type = #tpu.core_type<sc_vector_subcore>, window_params = [{transform_indices = #map}, {transform_indices = #map1}, {transform_indices = #map}]} {
    %mul3A = arith.constant 2 : i32
    %mul3A_0 = arith.muli %arg1, %mul3A : i32
    %add3A = arith.addi %mul3A_0, %arg0 : i32
    %mul3A_1 = arith.constant 64 : i32
    %mul3A_2 = arith.muli %add3A, %mul3A_1 : i32
    %add3A_3 = arith.constant 0 : i32
    %add3A_4 = arith.addi %mul3A_2, %add3A_3 : i32
    "tpu.region"() ({
      %run_scoped3A = tpu.sem_alloc : memref<!tpu.dma_semaphore, #tpu.memory_space<semaphore_mem>>
      %dma_start3A_19 = tpu.memref_slice %arg3[%add3A_4] : memref<2048xi32, #tpu.memory_space<hbm>> -> memref<32xi32, #tpu.memory_space<hbm>>
      %dma_start3A_20 = tpu.memref_slice %arg3[%add3A_4] : memref<2048xi32, #tpu.memory_space<hbm>> -> memref<32xi32, #tpu.memory_space<hbm>>
      tpu.enqueue_dma source(%dma_start3A_20 : memref<32xi32, #tpu.memory_space<hbm>>) target(%arg5 : memref<32xi32, #tpu.memory_space<vmem>>) target_semaphore(%run_scoped3A : memref<!tpu.dma_semaphore, #tpu.memory_space<semaphore_mem>>)
      %dma_wait3A_21 = tpu.memref_slice %arg3[%add3A_4] : memref<2048xi32, #tpu.memory_space<hbm>> -> memref<32xi32, #tpu.memory_space<hbm>>
      %dma_wait3A_22 = tpu.memref_slice %arg3[%add3A_4] : memref<2048xi32, #tpu.memory_space<hbm>> -> memref<32xi32, #tpu.memory_space<hbm>>
      tpu.wait_dma2 semaphore(%run_scoped3A : memref<!tpu.dma_semaphore, #tpu.memory_space<semaphore_mem>>) src(%dma_wait3A_22 : memref<32xi32, #tpu.memory_space<hbm>>) dst(%arg5 : memref<32xi32, #tpu.memory_space<vmem>>)
      tpu.yield
    }) : () -> ()
    %dma_start3A = arith.constant 0 : i32
    %dma_start3A_5 = arith.constant 0 : i32
    %dma_start3A_6 = tpu.memref_slice %arg2[%dma_start3A, %dma_start3A_5] : memref<4096x2048xf32, #tpu.memory_space<hbm>> -> memref<4096x2048xf32, #tpu.memory_space<hbm>>
    tpu.enqueue_indirect_dma source(%dma_start3A_6 : memref<4096x2048xf32, #tpu.memory_space<hbm>>) target(%arg6 : memref<32x2048xf32, #tpu.memory_space<vmem>>) offsets(%arg5 : memref<32xi32, #tpu.memory_space<vmem>>) semaphore(%arg7 : memref<!tpu.dma_semaphore, #tpu.memory_space<semaphore_mem>>)
    %dma_wait3A = arith.constant 0 : i32
    %dma_wait3A_7 = arith.constant 0 : i32
    %dma_wait3A_8 = tpu.memref_slice %arg2[%dma_wait3A, %dma_wait3A_7] : memref<4096x2048xf32, #tpu.memory_space<hbm>> -> memref<4096x2048xf32, #tpu.memory_space<hbm>>
    tpu.wait_indirect_dma semaphore(%arg7 : memref<!tpu.dma_semaphore, #tpu.memory_space<semaphore_mem>>) src(%dma_wait3A_8 : memref<4096x2048xf32, #tpu.memory_space<hbm>>) dst(%arg6 : memref<32x2048xf32, #tpu.memory_space<vmem>>)
    "tpu.region"() ({
      %run_scoped3A = tpu.sem_alloc : memref<!tpu.dma_semaphore, #tpu.memory_space<semaphore_mem>>
      %dma_start3A_19 = arith.constant 0 : i32
      %dma_start3A_20 = tpu.memref_slice %arg4[%add3A_4, %dma_start3A_19] : memref<2048x2048xf32, #tpu.memory_space<hbm>> -> memref<32x2048xf32, #tpu.memory_space<hbm>>
      %dma_start3A_21 = arith.constant 0 : i32
      %dma_start3A_22 = tpu.memref_slice %arg4[%add3A_4, %dma_start3A_21] : memref<2048x2048xf32, #tpu.memory_space<hbm>> -> memref<32x2048xf32, #tpu.memory_space<hbm>>
      tpu.enqueue_dma source(%arg6 : memref<32x2048xf32, #tpu.memory_space<vmem>>) target(%dma_start3A_22 : memref<32x2048xf32, #tpu.memory_space<hbm>>) target_semaphore(%run_scoped3A : memref<!tpu.dma_semaphore, #tpu.memory_space<semaphore_mem>>)
      %dma_wait3A_23 = arith.constant 0 : i32
      %dma_wait3A_24 = tpu.memref_slice %arg4[%add3A_4, %dma_wait3A_23] : memref<2048x2048xf32, #tpu.memory_space<hbm>> -> memref<32x2048xf32, #tpu.memory_space<hbm>>
      %dma_wait3A_25 = arith.constant 0 : i32
      %dma_wait3A_26 = tpu.memref_slice %arg4[%add3A_4, %dma_wait3A_25] : memref<2048x2048xf32, #tpu.memory_space<hbm>> -> memref<32x2048xf32, #tpu.memory_space<hbm>>
      tpu.wait_dma2 semaphore(%run_scoped3A : memref<!tpu.dma_semaphore, #tpu.memory_space<semaphore_mem>>) src(%arg6 : memref<32x2048xf32, #tpu.memory_space<vmem>>) dst(%dma_wait3A_26 : memref<32x2048xf32, #tpu.memory_space<hbm>>)
      tpu.yield
    }) : () -> ()
    %mul3A_9 = arith.constant 64 : i32
    %mul3A_10 = arith.muli %add3A, %mul3A_9 : i32
    %add3A_11 = arith.constant 32 : i32
    %add3A_12 = arith.addi %mul3A_10, %add3A_11 : i32
    "tpu.region"() ({
      %run_scoped3A = tpu.sem_alloc : memref<!tpu.dma_semaphore, #tpu.memory_space<semaphore_mem>>
      %dma_start3A_19 = tpu.memref_slice %arg3[%add3A_12] : memref<2048xi32, #tpu.memory_space<hbm>> -> memref<32xi32, #tpu.memory_space<hbm>>
      %dma_start3A_20 = tpu.memref_slice %arg3[%add3A_12] : memref<2048xi32, #tpu.memory_space<hbm>> -> memref<32xi32, #tpu.memory_space<hbm>>
      tpu.enqueue_dma source(%dma_start3A_20 : memref<32xi32, #tpu.memory_space<hbm>>) target(%arg5 : memref<32xi32, #tpu.memory_space<vmem>>) target_semaphore(%run_scoped3A : memref<!tpu.dma_semaphore, #tpu.memory_space<semaphore_mem>>)
      %dma_wait3A_21 = tpu.memref_slice %arg3[%add3A_12] : memref<2048xi32, #tpu.memory_space<hbm>> -> memref<32xi32, #tpu.memory_space<hbm>>
      %dma_wait3A_22 = tpu.memref_slice %arg3[%add3A_12] : memref<2048xi32, #tpu.memory_space<hbm>> -> memref<32xi32, #tpu.memory_space<hbm>>
      tpu.wait_dma2 semaphore(%run_scoped3A : memref<!tpu.dma_semaphore, #tpu.memory_space<semaphore_mem>>) src(%dma_wait3A_22 : memref<32xi32, #tpu.memory_space<hbm>>) dst(%arg5 : memref<32xi32, #tpu.memory_space<vmem>>)
      tpu.yield
    }) : () -> ()
    %dma_start3A_13 = arith.constant 0 : i32
    %dma_start3A_14 = arith.constant 0 : i32
    %dma_start3A_15 = tpu.memref_slice %arg2[%dma_start3A_13, %dma_start3A_14] : memref<4096x2048xf32, #tpu.memory_space<hbm>> -> memref<4096x2048xf32, #tpu.memory_space<hbm>>
    tpu.enqueue_indirect_dma source(%dma_start3A_15 : memref<4096x2048xf32, #tpu.memory_space<hbm>>) target(%arg6 : memref<32x2048xf32, #tpu.memory_space<vmem>>) offsets(%arg5 : memref<32xi32, #tpu.memory_space<vmem>>) semaphore(%arg7 : memref<!tpu.dma_semaphore, #tpu.memory_space<semaphore_mem>>)
    %dma_wait3A_16 = arith.constant 0 : i32
    %dma_wait3A_17 = arith.constant 0 : i32
    %dma_wait3A_18 = tpu.memref_slice %arg2[%dma_wait3A_16, %dma_wait3A_17] : memref<4096x2048xf32, #tpu.memory_space<hbm>> -> memref<4096x2048xf32, #tpu.memory_space<hbm>>
    tpu.wait_indirect_dma semaphore(%arg7 : memref<!tpu.dma_semaphore, #tpu.memory_space<semaphore_mem>>) src(%dma_wait3A_18 : memref<4096x2048xf32, #tpu.memory_space<hbm>>) dst(%arg6 : memref<32x2048xf32, #tpu.memory_space<vmem>>)
    "tpu.region"() ({
      %run_scoped3A = tpu.sem_alloc : memref<!tpu.dma_semaphore, #tpu.memory_space<semaphore_mem>>
      %dma_start3A_19 = arith.constant 0 : i32
      %dma_start3A_20 = tpu.memref_slice %arg4[%add3A_12, %dma_start3A_19] : memref<2048x2048xf32, #tpu.memory_space<hbm>> -> memref<32x2048xf32, #tpu.memory_space<hbm>>
      %dma_start3A_21 = arith.constant 0 : i32
      %dma_start3A_22 = tpu.memref_slice %arg4[%add3A_12, %dma_start3A_21] : memref<2048x2048xf32, #tpu.memory_space<hbm>> -> memref<32x2048xf32, #tpu.memory_space<hbm>>
      tpu.enqueue_dma source(%arg6 : memref<32x2048xf32, #tpu.memory_space<vmem>>) target(%dma_start3A_22 : memref<32x2048xf32, #tpu.memory_space<hbm>>) target_semaphore(%run_scoped3A : memref<!tpu.dma_semaphore, #tpu.memory_space<semaphore_mem>>)
      %dma_wait3A_23 = arith.constant 0 : i32
      %dma_wait3A_24 = tpu.memref_slice %arg4[%add3A_12, %dma_wait3A_23] : memref<2048x2048xf32, #tpu.memory_space<hbm>> -> memref<32x2048xf32, #tpu.memory_space<hbm>>
      %dma_wait3A_25 = arith.constant 0 : i32
      %dma_wait3A_26 = tpu.memref_slice %arg4[%add3A_12, %dma_wait3A_25] : memref<2048x2048xf32, #tpu.memory_space<hbm>> -> memref<32x2048xf32, #tpu.memory_space<hbm>>
      tpu.wait_dma2 semaphore(%run_scoped3A : memref<!tpu.dma_semaphore, #tpu.memory_space<semaphore_mem>>) src(%arg6 : memref<32x2048xf32, #tpu.memory_space<vmem>>) dst(%dma_wait3A_26 : memref<32x2048xf32, #tpu.memory_space<hbm>>)
      tpu.yield
    }) : () -> ()
    return
  }
}

module attributes {stable_mosaic.version = 14 : i64} {
  func.func @_topk_body(%arg0: memref<4096x1xf32, #tpu.memory_space<vmem>>, %arg1: memref<1x4096xf32, #tpu.memory_space<vmem>>, %arg2: memref<2048x1xi32, #tpu.memory_space<vmem>>) attributes {dimension_semantics = [], scalar_prefetch = 0 : i64, scratch_operands = 0 : i64, tpu.core_type = #tpu.core_type<tc>} {
    %get3A = arith.constant 0 : index
    %get3A_0 = arith.constant 0 : index
    %get3A_1 = vector.load %arg0[%get3A, %get3A_0] : memref<4096x1xf32, #tpu.memory_space<vmem>>, vector<4096x1xf32>
    %get3A_2 = arith.constant 0 : index
    %get3A_3 = arith.constant 0 : index
    %get3A_4 = vector.load %arg1[%get3A_2, %get3A_3] : memref<1x4096xf32, #tpu.memory_space<vmem>>, vector<1x4096xf32>
    %iota3A = tpu.iota {dimensions = array<i32: 0>} : vector<512x512xi32>
    %iota3A_5 = tpu.iota {dimensions = array<i32: 1>} : vector<512x512xi32>
    %eq3A = arith.cmpi eq, %iota3A, %iota3A_5 : vector<512x512xi32>
    %slice3A = vector.extract_strided_slice %get3A_1 {offsets = [0, 0], sizes = [512, 1], strides = [1, 1]} : vector<4096x1xf32> to vector<512x1xf32>
    %slice3A_6 = vector.extract_strided_slice %get3A_4 {offsets = [0, 0], sizes = [1, 512], strides = [1, 1]} : vector<1x4096xf32> to vector<1x512xf32>
    %gt3A = vector.broadcast %slice3A_6 : vector<1x512xf32> to vector<512x512xf32>
    %gt3A_7 = vector.broadcast %slice3A : vector<512x1xf32> to vector<512x512xf32>
    %gt3A_8 = arith.cmpf ogt, %gt3A, %gt3A_7 : vector<512x512xf32>
    %eq3A_9 = vector.broadcast %slice3A_6 : vector<1x512xf32> to vector<512x512xf32>
    %eq3A_10 = vector.broadcast %slice3A : vector<512x1xf32> to vector<512x512xf32>
    %eq3A_11 = arith.cmpf oeq, %eq3A_9, %eq3A_10 : vector<512x512xf32>
    %lt3A = arith.cmpi slt, %iota3A_5, %iota3A : vector<512x512xi32>
    %and3A = arith.andi %eq3A_11, %lt3A : vector<512x512xi1>
    %or3A = arith.ori %gt3A_8, %and3A : vector<512x512xi1>
    %jit3A = arith.constant 1.000000e+00 : f32
    %jit3A_12 = arith.constant 0.000000e+00 : f32
    %broadcast_in_dim3A = vector.broadcast %jit3A : f32 to vector<512x512xf32>
    %broadcast_in_dim3A_13 = vector.broadcast %jit3A_12 : f32 to vector<512x512xf32>
    %select_n3A = arith.select %or3A, %broadcast_in_dim3A, %broadcast_in_dim3A_13 : vector<512x512xi1>, vector<512x512xf32>
    %reduce_sum3A = arith.constant dense<0.000000e+00> : vector<512xf32>
    %reduce_sum3A_14 = vector.multi_reduction <add>, %select_n3A, %reduce_sum3A [1] : vector<512x512xf32> to vector<512xf32>
    %broadcast_in_dim3A_15 = vector.shape_cast %reduce_sum3A_14 : vector<512xf32> to vector<512x1xf32>
    %slice3A_16 = vector.extract_strided_slice %get3A_4 {offsets = [0, 512], sizes = [1, 512], strides = [1, 1]} : vector<1x4096xf32> to vector<1x512xf32>
    %gt3A_17 = vector.broadcast %slice3A_16 : vector<1x512xf32> to vector<512x512xf32>
    %gt3A_18 = vector.broadcast %slice3A : vector<512x1xf32> to vector<512x512xf32>
    %gt3A_19 = arith.cmpf ogt, %gt3A_17, %gt3A_18 : vector<512x512xf32>
    %jit3A_20 = arith.constant 1.000000e+00 : f32
    %jit3A_21 = arith.constant 0.000000e+00 : f32
    %broadcast_in_dim3A_22 = vector.broadcast %jit3A_20 : f32 to vector<512x512xf32>
    %broadcast_in_dim3A_23 = vector.broadcast %jit3A_21 : f32 to vector<512x512xf32>
    %select_n3A_24 = arith.select %gt3A_19, %broadcast_in_dim3A_22, %broadcast_in_dim3A_23 : vector<512x512xi1>, vector<512x512xf32>
    %reduce_sum3A_25 = arith.constant dense<0.000000e+00> : vector<512xf32>
    %reduce_sum3A_26 = vector.multi_reduction <add>, %select_n3A_24, %reduce_sum3A_25 [1] : vector<512x512xf32> to vector<512xf32>
    %broadcast_in_dim3A_27 = vector.shape_cast %reduce_sum3A_26 : vector<512xf32> to vector<512x1xf32>
    %add3A = arith.addf %broadcast_in_dim3A_15, %broadcast_in_dim3A_27 : vector<512x1xf32>
    %reduce_sum3A_28 = arith.constant dense<0.000000e+00> : vector<512xf32>
    %reduce_sum3A_29 = vector.multi_reduction <add>, %select_n3A_24, %reduce_sum3A_28 [0] : vector<512x512xf32> to vector<512xf32>
    %broadcast_in_dim3A_30 = vector.shape_cast %reduce_sum3A_29 : vector<512xf32> to vector<1x512xf32>
    %sub3A = arith.constant 5.120000e+02 : f32
    %sub3A_31 = vector.broadcast %sub3A : f32 to vector<1x512xf32>
    %sub3A_32 = arith.subf %sub3A_31, %broadcast_in_dim3A_30 : vector<1x512xf32>
    %slice3A_33 = vector.extract_strided_slice %get3A_4 {offsets = [0, 1024], sizes = [1, 512], strides = [1, 1]} : vector<1x4096xf32> to vector<1x512xf32>
    %gt3A_34 = vector.broadcast %slice3A_33 : vector<1x512xf32> to vector<512x512xf32>
    %gt3A_35 = vector.broadcast %slice3A : vector<512x1xf32> to vector<512x512xf32>
    %gt3A_36 = arith.cmpf ogt, %gt3A_34, %gt3A_35 : vector<512x512xf32>
    %jit3A_37 = arith.constant 1.000000e+00 : f32
    %jit3A_38 = arith.constant 0.000000e+00 : f32
    %broadcast_in_dim3A_39 = vector.broadcast %jit3A_37 : f32 to vector<512x512xf32>
    %broadcast_in_dim3A_40 = vector.broadcast %jit3A_38 : f32 to vector<512x512xf32>
    %select_n3A_41 = arith.select %gt3A_36, %broadcast_in_dim3A_39, %broadcast_in_dim3A_40 : vector<512x512xi1>, vector<512x512xf32>
    %reduce_sum3A_42 = arith.constant dense<0.000000e+00> : vector<512xf32>
    %reduce_sum3A_43 = vector.multi_reduction <add>, %select_n3A_41, %reduce_sum3A_42 [1] : vector<512x512xf32> to vector<512xf32>
    %broadcast_in_dim3A_44 = vector.shape_cast %reduce_sum3A_43 : vector<512xf32> to vector<512x1xf32>
    %add3A_45 = arith.addf %add3A, %broadcast_in_dim3A_44 : vector<512x1xf32>
    %reduce_sum3A_46 = arith.constant dense<0.000000e+00> : vector<512xf32>
    %reduce_sum3A_47 = vector.multi_reduction <add>, %select_n3A_41, %reduce_sum3A_46 [0] : vector<512x512xf32> to vector<512xf32>
    %broadcast_in_dim3A_48 = vector.shape_cast %reduce_sum3A_47 : vector<512xf32> to vector<1x512xf32>
    %sub3A_49 = arith.constant 5.120000e+02 : f32
    %sub3A_50 = vector.broadcast %sub3A_49 : f32 to vector<1x512xf32>
    %sub3A_51 = arith.subf %sub3A_50, %broadcast_in_dim3A_48 : vector<1x512xf32>
    %slice3A_52 = vector.extract_strided_slice %get3A_4 {offsets = [0, 1536], sizes = [1, 512], strides = [1, 1]} : vector<1x4096xf32> to vector<1x512xf32>
    %gt3A_53 = vector.broadcast %slice3A_52 : vector<1x512xf32> to vector<512x512xf32>
    %gt3A_54 = vector.broadcast %slice3A : vector<512x1xf32> to vector<512x512xf32>
    %gt3A_55 = arith.cmpf ogt, %gt3A_53, %gt3A_54 : vector<512x512xf32>
    %jit3A_56 = arith.constant 1.000000e+00 : f32
    %jit3A_57 = arith.constant 0.000000e+00 : f32
    %broadcast_in_dim3A_58 = vector.broadcast %jit3A_56 : f32 to vector<512x512xf32>
    %broadcast_in_dim3A_59 = vector.broadcast %jit3A_57 : f32 to vector<512x512xf32>
    %select_n3A_60 = arith.select %gt3A_55, %broadcast_in_dim3A_58, %broadcast_in_dim3A_59 : vector<512x512xi1>, vector<512x512xf32>
    %reduce_sum3A_61 = arith.constant dense<0.000000e+00> : vector<512xf32>
    %reduce_sum3A_62 = vector.multi_reduction <add>, %select_n3A_60, %reduce_sum3A_61 [1] : vector<512x512xf32> to vector<512xf32>
    %broadcast_in_dim3A_63 = vector.shape_cast %reduce_sum3A_62 : vector<512xf32> to vector<512x1xf32>
    %add3A_64 = arith.addf %add3A_45, %broadcast_in_dim3A_63 : vector<512x1xf32>
    %reduce_sum3A_65 = arith.constant dense<0.000000e+00> : vector<512xf32>
    %reduce_sum3A_66 = vector.multi_reduction <add>, %select_n3A_60, %reduce_sum3A_65 [0] : vector<512x512xf32> to vector<512xf32>
    %broadcast_in_dim3A_67 = vector.shape_cast %reduce_sum3A_66 : vector<512xf32> to vector<1x512xf32>
    %sub3A_68 = arith.constant 5.120000e+02 : f32
    %sub3A_69 = vector.broadcast %sub3A_68 : f32 to vector<1x512xf32>
    %sub3A_70 = arith.subf %sub3A_69, %broadcast_in_dim3A_67 : vector<1x512xf32>
    %slice3A_71 = vector.extract_strided_slice %get3A_4 {offsets = [0, 2048], sizes = [1, 512], strides = [1, 1]} : vector<1x4096xf32> to vector<1x512xf32>
    %gt3A_72 = vector.broadcast %slice3A_71 : vector<1x512xf32> to vector<512x512xf32>
    %gt3A_73 = vector.broadcast %slice3A : vector<512x1xf32> to vector<512x512xf32>
    %gt3A_74 = arith.cmpf ogt, %gt3A_72, %gt3A_73 : vector<512x512xf32>
    %jit3A_75 = arith.constant 1.000000e+00 : f32
    %jit3A_76 = arith.constant 0.000000e+00 : f32
    %broadcast_in_dim3A_77 = vector.broadcast %jit3A_75 : f32 to vector<512x512xf32>
    %broadcast_in_dim3A_78 = vector.broadcast %jit3A_76 : f32 to vector<512x512xf32>
    %select_n3A_79 = arith.select %gt3A_74, %broadcast_in_dim3A_77, %broadcast_in_dim3A_78 : vector<512x512xi1>, vector<512x512xf32>
    %reduce_sum3A_80 = arith.constant dense<0.000000e+00> : vector<512xf32>
    %reduce_sum3A_81 = vector.multi_reduction <add>, %select_n3A_79, %reduce_sum3A_80 [1] : vector<512x512xf32> to vector<512xf32>
    %broadcast_in_dim3A_82 = vector.shape_cast %reduce_sum3A_81 : vector<512xf32> to vector<512x1xf32>
    %add3A_83 = arith.addf %add3A_64, %broadcast_in_dim3A_82 : vector<512x1xf32>
    %reduce_sum3A_84 = arith.constant dense<0.000000e+00> : vector<512xf32>
    %reduce_sum3A_85 = vector.multi_reduction <add>, %select_n3A_79, %reduce_sum3A_84 [0] : vector<512x512xf32> to vector<512xf32>
    %broadcast_in_dim3A_86 = vector.shape_cast %reduce_sum3A_85 : vector<512xf32> to vector<1x512xf32>
    %sub3A_87 = arith.constant 5.120000e+02 : f32
    %sub3A_88 = vector.broadcast %sub3A_87 : f32 to vector<1x512xf32>
    %sub3A_89 = arith.subf %sub3A_88, %broadcast_in_dim3A_86 : vector<1x512xf32>
    %slice3A_90 = vector.extract_strided_slice %get3A_4 {offsets = [0, 2560], sizes = [1, 512], strides = [1, 1]} : vector<1x4096xf32> to vector<1x512xf32>
    %gt3A_91 = vector.broadcast %slice3A_90 : vector<1x512xf32> to vector<512x512xf32>
    %gt3A_92 = vector.broadcast %slice3A : vector<512x1xf32> to vector<512x512xf32>
    %gt3A_93 = arith.cmpf ogt, %gt3A_91, %gt3A_92 : vector<512x512xf32>
    %jit3A_94 = arith.constant 1.000000e+00 : f32
    %jit3A_95 = arith.constant 0.000000e+00 : f32
    %broadcast_in_dim3A_96 = vector.broadcast %jit3A_94 : f32 to vector<512x512xf32>
    %broadcast_in_dim3A_97 = vector.broadcast %jit3A_95 : f32 to vector<512x512xf32>
    %select_n3A_98 = arith.select %gt3A_93, %broadcast_in_dim3A_96, %broadcast_in_dim3A_97 : vector<512x512xi1>, vector<512x512xf32>
    %reduce_sum3A_99 = arith.constant dense<0.000000e+00> : vector<512xf32>
    %reduce_sum3A_100 = vector.multi_reduction <add>, %select_n3A_98, %reduce_sum3A_99 [1] : vector<512x512xf32> to vector<512xf32>
    %broadcast_in_dim3A_101 = vector.shape_cast %reduce_sum3A_100 : vector<512xf32> to vector<512x1xf32>
    %add3A_102 = arith.addf %add3A_83, %broadcast_in_dim3A_101 : vector<512x1xf32>
    %reduce_sum3A_103 = arith.constant dense<0.000000e+00> : vector<512xf32>
    %reduce_sum3A_104 = vector.multi_reduction <add>, %select_n3A_98, %reduce_sum3A_103 [0] : vector<512x512xf32> to vector<512xf32>
    %broadcast_in_dim3A_105 = vector.shape_cast %reduce_sum3A_104 : vector<512xf32> to vector<1x512xf32>
    %sub3A_106 = arith.constant 5.120000e+02 : f32
    %sub3A_107 = vector.broadcast %sub3A_106 : f32 to vector<1x512xf32>
    %sub3A_108 = arith.subf %sub3A_107, %broadcast_in_dim3A_105 : vector<1x512xf32>
    %slice3A_109 = vector.extract_strided_slice %get3A_4 {offsets = [0, 3072], sizes = [1, 512], strides = [1, 1]} : vector<1x4096xf32> to vector<1x512xf32>
    %gt3A_110 = vector.broadcast %slice3A_109 : vector<1x512xf32> to vector<512x512xf32>
    %gt3A_111 = vector.broadcast %slice3A : vector<512x1xf32> to vector<512x512xf32>
    %gt3A_112 = arith.cmpf ogt, %gt3A_110, %gt3A_111 : vector<512x512xf32>
    %jit3A_113 = arith.constant 1.000000e+00 : f32
    %jit3A_114 = arith.constant 0.000000e+00 : f32
    %broadcast_in_dim3A_115 = vector.broadcast %jit3A_113 : f32 to vector<512x512xf32>
    %broadcast_in_dim3A_116 = vector.broadcast %jit3A_114 : f32 to vector<512x512xf32>
    %select_n3A_117 = arith.select %gt3A_112, %broadcast_in_dim3A_115, %broadcast_in_dim3A_116 : vector<512x512xi1>, vector<512x512xf32>
    %reduce_sum3A_118 = arith.constant dense<0.000000e+00> : vector<512xf32>
    %reduce_sum3A_119 = vector.multi_reduction <add>, %select_n3A_117, %reduce_sum3A_118 [1] : vector<512x512xf32> to vector<512xf32>
    %broadcast_in_dim3A_120 = vector.shape_cast %reduce_sum3A_119 : vector<512xf32> to vector<512x1xf32>
    %add3A_121 = arith.addf %add3A_102, %broadcast_in_dim3A_120 : vector<512x1xf32>
    %reduce_sum3A_122 = arith.constant dense<0.000000e+00> : vector<512xf32>
    %reduce_sum3A_123 = vector.multi_reduction <add>, %select_n3A_117, %reduce_sum3A_122 [0] : vector<512x512xf32> to vector<512xf32>
    %broadcast_in_dim3A_124 = vector.shape_cast %reduce_sum3A_123 : vector<512xf32> to vector<1x512xf32>
    %sub3A_125 = arith.constant 5.120000e+02 : f32
    %sub3A_126 = vector.broadcast %sub3A_125 : f32 to vector<1x512xf32>
    %sub3A_127 = arith.subf %sub3A_126, %broadcast_in_dim3A_124 : vector<1x512xf32>
    %slice3A_128 = vector.extract_strided_slice %get3A_4 {offsets = [0, 3584], sizes = [1, 512], strides = [1, 1]} : vector<1x4096xf32> to vector<1x512xf32>
    %gt3A_129 = vector.broadcast %slice3A_128 : vector<1x512xf32> to vector<512x512xf32>
    %gt3A_130 = vector.broadcast %slice3A : vector<512x1xf32> to vector<512x512xf32>
    %gt3A_131 = arith.cmpf ogt, %gt3A_129, %gt3A_130 : vector<512x512xf32>
    %jit3A_132 = arith.constant 1.000000e+00 : f32
    %jit3A_133 = arith.constant 0.000000e+00 : f32
    %broadcast_in_dim3A_134 = vector.broadcast %jit3A_132 : f32 to vector<512x512xf32>
    %broadcast_in_dim3A_135 = vector.broadcast %jit3A_133 : f32 to vector<512x512xf32>
    %select_n3A_136 = arith.select %gt3A_131, %broadcast_in_dim3A_134, %broadcast_in_dim3A_135 : vector<512x512xi1>, vector<512x512xf32>
    %reduce_sum3A_137 = arith.constant dense<0.000000e+00> : vector<512xf32>
    %reduce_sum3A_138 = vector.multi_reduction <add>, %select_n3A_136, %reduce_sum3A_137 [1] : vector<512x512xf32> to vector<512xf32>
    %broadcast_in_dim3A_139 = vector.shape_cast %reduce_sum3A_138 : vector<512xf32> to vector<512x1xf32>
    %add3A_140 = arith.addf %add3A_121, %broadcast_in_dim3A_139 : vector<512x1xf32>
    %reduce_sum3A_141 = arith.constant dense<0.000000e+00> : vector<512xf32>
    %reduce_sum3A_142 = vector.multi_reduction <add>, %select_n3A_136, %reduce_sum3A_141 [0] : vector<512x512xf32> to vector<512xf32>
    %broadcast_in_dim3A_143 = vector.shape_cast %reduce_sum3A_142 : vector<512xf32> to vector<1x512xf32>
    %sub3A_144 = arith.constant 5.120000e+02 : f32
    %sub3A_145 = vector.broadcast %sub3A_144 : f32 to vector<1x512xf32>
    %sub3A_146 = arith.subf %sub3A_145, %broadcast_in_dim3A_143 : vector<1x512xf32>
    %slice3A_147 = vector.extract_strided_slice %get3A_1 {offsets = [512, 0], sizes = [512, 1], strides = [1, 1]} : vector<4096x1xf32> to vector<512x1xf32>
    %slice3A_148 = vector.extract_strided_slice %get3A_4 {offsets = [0, 512], sizes = [1, 512], strides = [1, 1]} : vector<1x4096xf32> to vector<1x512xf32>
    %gt3A_149 = vector.broadcast %slice3A_148 : vector<1x512xf32> to vector<512x512xf32>
    %gt3A_150 = vector.broadcast %slice3A_147 : vector<512x1xf32> to vector<512x512xf32>
    %gt3A_151 = arith.cmpf ogt, %gt3A_149, %gt3A_150 : vector<512x512xf32>
    %eq3A_152 = vector.broadcast %slice3A_148 : vector<1x512xf32> to vector<512x512xf32>
    %eq3A_153 = vector.broadcast %slice3A_147 : vector<512x1xf32> to vector<512x512xf32>
    %eq3A_154 = arith.cmpf oeq, %eq3A_152, %eq3A_153 : vector<512x512xf32>
    %lt3A_155 = arith.cmpi slt, %iota3A_5, %iota3A : vector<512x512xi32>
    %and3A_156 = arith.andi %eq3A_154, %lt3A_155 : vector<512x512xi1>
    %or3A_157 = arith.ori %gt3A_151, %and3A_156 : vector<512x512xi1>
    %jit3A_158 = arith.constant 1.000000e+00 : f32
    %jit3A_159 = arith.constant 0.000000e+00 : f32
    %broadcast_in_dim3A_160 = vector.broadcast %jit3A_158 : f32 to vector<512x512xf32>
    %broadcast_in_dim3A_161 = vector.broadcast %jit3A_159 : f32 to vector<512x512xf32>
    %select_n3A_162 = arith.select %or3A_157, %broadcast_in_dim3A_160, %broadcast_in_dim3A_161 : vector<512x512xi1>, vector<512x512xf32>
    %reduce_sum3A_163 = arith.constant dense<0.000000e+00> : vector<512xf32>
    %reduce_sum3A_164 = vector.multi_reduction <add>, %select_n3A_162, %reduce_sum3A_163 [1] : vector<512x512xf32> to vector<512xf32>
    %broadcast_in_dim3A_165 = vector.shape_cast %reduce_sum3A_164 : vector<512xf32> to vector<512x1xf32>
    %slice3A_166 = vector.extract_strided_slice %get3A_4 {offsets = [0, 1024], sizes = [1, 512], strides = [1, 1]} : vector<1x4096xf32> to vector<1x512xf32>
    %gt3A_167 = vector.broadcast %slice3A_166 : vector<1x512xf32> to vector<512x512xf32>
    %gt3A_168 = vector.broadcast %slice3A_147 : vector<512x1xf32> to vector<512x512xf32>
    %gt3A_169 = arith.cmpf ogt, %gt3A_167, %gt3A_168 : vector<512x512xf32>
    %jit3A_170 = arith.constant 1.000000e+00 : f32
    %jit3A_171 = arith.constant 0.000000e+00 : f32
    %broadcast_in_dim3A_172 = vector.broadcast %jit3A_170 : f32 to vector<512x512xf32>
    %broadcast_in_dim3A_173 = vector.broadcast %jit3A_171 : f32 to vector<512x512xf32>
    %select_n3A_174 = arith.select %gt3A_169, %broadcast_in_dim3A_172, %broadcast_in_dim3A_173 : vector<512x512xi1>, vector<512x512xf32>
    %reduce_sum3A_175 = arith.constant dense<0.000000e+00> : vector<512xf32>
    %reduce_sum3A_176 = vector.multi_reduction <add>, %select_n3A_174, %reduce_sum3A_175 [1] : vector<512x512xf32> to vector<512xf32>
    %broadcast_in_dim3A_177 = vector.shape_cast %reduce_sum3A_176 : vector<512xf32> to vector<512x1xf32>
    %add3A_178 = arith.addf %broadcast_in_dim3A_165, %broadcast_in_dim3A_177 : vector<512x1xf32>
    %reduce_sum3A_179 = arith.constant dense<0.000000e+00> : vector<512xf32>
    %reduce_sum3A_180 = vector.multi_reduction <add>, %select_n3A_174, %reduce_sum3A_179 [0] : vector<512x512xf32> to vector<512xf32>
    %broadcast_in_dim3A_181 = vector.shape_cast %reduce_sum3A_180 : vector<512xf32> to vector<1x512xf32>
    %sub3A_182 = arith.constant 5.120000e+02 : f32
    %sub3A_183 = vector.broadcast %sub3A_182 : f32 to vector<1x512xf32>
    %sub3A_184 = arith.subf %sub3A_183, %broadcast_in_dim3A_181 : vector<1x512xf32>
    %add3A_185 = arith.addf %sub3A_51, %sub3A_184 : vector<1x512xf32>
    %slice3A_186 = vector.extract_strided_slice %get3A_4 {offsets = [0, 1536], sizes = [1, 512], strides = [1, 1]} : vector<1x4096xf32> to vector<1x512xf32>
    %gt3A_187 = vector.broadcast %slice3A_186 : vector<1x512xf32> to vector<512x512xf32>
    %gt3A_188 = vector.broadcast %slice3A_147 : vector<512x1xf32> to vector<512x512xf32>
    %gt3A_189 = arith.cmpf ogt, %gt3A_187, %gt3A_188 : vector<512x512xf32>
    %jit3A_190 = arith.constant 1.000000e+00 : f32
    %jit3A_191 = arith.constant 0.000000e+00 : f32
    %broadcast_in_dim3A_192 = vector.broadcast %jit3A_190 : f32 to vector<512x512xf32>
    %broadcast_in_dim3A_193 = vector.broadcast %jit3A_191 : f32 to vector<512x512xf32>
    %select_n3A_194 = arith.select %gt3A_189, %broadcast_in_dim3A_192, %broadcast_in_dim3A_193 : vector<512x512xi1>, vector<512x512xf32>
    %reduce_sum3A_195 = arith.constant dense<0.000000e+00> : vector<512xf32>
    %reduce_sum3A_196 = vector.multi_reduction <add>, %select_n3A_194, %reduce_sum3A_195 [1] : vector<512x512xf32> to vector<512xf32>
    %broadcast_in_dim3A_197 = vector.shape_cast %reduce_sum3A_196 : vector<512xf32> to vector<512x1xf32>
    %add3A_198 = arith.addf %add3A_178, %broadcast_in_dim3A_197 : vector<512x1xf32>
    %reduce_sum3A_199 = arith.constant dense<0.000000e+00> : vector<512xf32>
    %reduce_sum3A_200 = vector.multi_reduction <add>, %select_n3A_194, %reduce_sum3A_199 [0] : vector<512x512xf32> to vector<512xf32>
    %broadcast_in_dim3A_201 = vector.shape_cast %reduce_sum3A_200 : vector<512xf32> to vector<1x512xf32>
    %sub3A_202 = arith.constant 5.120000e+02 : f32
    %sub3A_203 = vector.broadcast %sub3A_202 : f32 to vector<1x512xf32>
    %sub3A_204 = arith.subf %sub3A_203, %broadcast_in_dim3A_201 : vector<1x512xf32>
    %add3A_205 = arith.addf %sub3A_70, %sub3A_204 : vector<1x512xf32>
    %slice3A_206 = vector.extract_strided_slice %get3A_4 {offsets = [0, 2048], sizes = [1, 512], strides = [1, 1]} : vector<1x4096xf32> to vector<1x512xf32>
    %gt3A_207 = vector.broadcast %slice3A_206 : vector<1x512xf32> to vector<512x512xf32>
    %gt3A_208 = vector.broadcast %slice3A_147 : vector<512x1xf32> to vector<512x512xf32>
    %gt3A_209 = arith.cmpf ogt, %gt3A_207, %gt3A_208 : vector<512x512xf32>
    %jit3A_210 = arith.constant 1.000000e+00 : f32
    %jit3A_211 = arith.constant 0.000000e+00 : f32
    %broadcast_in_dim3A_212 = vector.broadcast %jit3A_210 : f32 to vector<512x512xf32>
    %broadcast_in_dim3A_213 = vector.broadcast %jit3A_211 : f32 to vector<512x512xf32>
    %select_n3A_214 = arith.select %gt3A_209, %broadcast_in_dim3A_212, %broadcast_in_dim3A_213 : vector<512x512xi1>, vector<512x512xf32>
    %reduce_sum3A_215 = arith.constant dense<0.000000e+00> : vector<512xf32>
    %reduce_sum3A_216 = vector.multi_reduction <add>, %select_n3A_214, %reduce_sum3A_215 [1] : vector<512x512xf32> to vector<512xf32>
    %broadcast_in_dim3A_217 = vector.shape_cast %reduce_sum3A_216 : vector<512xf32> to vector<512x1xf32>
    %add3A_218 = arith.addf %add3A_198, %broadcast_in_dim3A_217 : vector<512x1xf32>
    %reduce_sum3A_219 = arith.constant dense<0.000000e+00> : vector<512xf32>
    %reduce_sum3A_220 = vector.multi_reduction <add>, %select_n3A_214, %reduce_sum3A_219 [0] : vector<512x512xf32> to vector<512xf32>
    %broadcast_in_dim3A_221 = vector.shape_cast %reduce_sum3A_220 : vector<512xf32> to vector<1x512xf32>
    %sub3A_222 = arith.constant 5.120000e+02 : f32
    %sub3A_223 = vector.broadcast %sub3A_222 : f32 to vector<1x512xf32>
    %sub3A_224 = arith.subf %sub3A_223, %broadcast_in_dim3A_221 : vector<1x512xf32>
    %add3A_225 = arith.addf %sub3A_89, %sub3A_224 : vector<1x512xf32>
    %slice3A_226 = vector.extract_strided_slice %get3A_4 {offsets = [0, 2560], sizes = [1, 512], strides = [1, 1]} : vector<1x4096xf32> to vector<1x512xf32>
    %gt3A_227 = vector.broadcast %slice3A_226 : vector<1x512xf32> to vector<512x512xf32>
    %gt3A_228 = vector.broadcast %slice3A_147 : vector<512x1xf32> to vector<512x512xf32>
    %gt3A_229 = arith.cmpf ogt, %gt3A_227, %gt3A_228 : vector<512x512xf32>
    %jit3A_230 = arith.constant 1.000000e+00 : f32
    %jit3A_231 = arith.constant 0.000000e+00 : f32
    %broadcast_in_dim3A_232 = vector.broadcast %jit3A_230 : f32 to vector<512x512xf32>
    %broadcast_in_dim3A_233 = vector.broadcast %jit3A_231 : f32 to vector<512x512xf32>
    %select_n3A_234 = arith.select %gt3A_229, %broadcast_in_dim3A_232, %broadcast_in_dim3A_233 : vector<512x512xi1>, vector<512x512xf32>
    %reduce_sum3A_235 = arith.constant dense<0.000000e+00> : vector<512xf32>
    %reduce_sum3A_236 = vector.multi_reduction <add>, %select_n3A_234, %reduce_sum3A_235 [1] : vector<512x512xf32> to vector<512xf32>
    %broadcast_in_dim3A_237 = vector.shape_cast %reduce_sum3A_236 : vector<512xf32> to vector<512x1xf32>
    %add3A_238 = arith.addf %add3A_218, %broadcast_in_dim3A_237 : vector<512x1xf32>
    %reduce_sum3A_239 = arith.constant dense<0.000000e+00> : vector<512xf32>
    %reduce_sum3A_240 = vector.multi_reduction <add>, %select_n3A_234, %reduce_sum3A_239 [0] : vector<512x512xf32> to vector<512xf32>
    %broadcast_in_dim3A_241 = vector.shape_cast %reduce_sum3A_240 : vector<512xf32> to vector<1x512xf32>
    %sub3A_242 = arith.constant 5.120000e+02 : f32
    %sub3A_243 = vector.broadcast %sub3A_242 : f32 to vector<1x512xf32>
    %sub3A_244 = arith.subf %sub3A_243, %broadcast_in_dim3A_241 : vector<1x512xf32>
    %add3A_245 = arith.addf %sub3A_108, %sub3A_244 : vector<1x512xf32>
    %slice3A_246 = vector.extract_strided_slice %get3A_4 {offsets = [0, 3072], sizes = [1, 512], strides = [1, 1]} : vector<1x4096xf32> to vector<1x512xf32>
    %gt3A_247 = vector.broadcast %slice3A_246 : vector<1x512xf32> to vector<512x512xf32>
    %gt3A_248 = vector.broadcast %slice3A_147 : vector<512x1xf32> to vector<512x512xf32>
    %gt3A_249 = arith.cmpf ogt, %gt3A_247, %gt3A_248 : vector<512x512xf32>
    %jit3A_250 = arith.constant 1.000000e+00 : f32
    %jit3A_251 = arith.constant 0.000000e+00 : f32
    %broadcast_in_dim3A_252 = vector.broadcast %jit3A_250 : f32 to vector<512x512xf32>
    %broadcast_in_dim3A_253 = vector.broadcast %jit3A_251 : f32 to vector<512x512xf32>
    %select_n3A_254 = arith.select %gt3A_249, %broadcast_in_dim3A_252, %broadcast_in_dim3A_253 : vector<512x512xi1>, vector<512x512xf32>
    %reduce_sum3A_255 = arith.constant dense<0.000000e+00> : vector<512xf32>
    %reduce_sum3A_256 = vector.multi_reduction <add>, %select_n3A_254, %reduce_sum3A_255 [1] : vector<512x512xf32> to vector<512xf32>
    %broadcast_in_dim3A_257 = vector.shape_cast %reduce_sum3A_256 : vector<512xf32> to vector<512x1xf32>
    %add3A_258 = arith.addf %add3A_238, %broadcast_in_dim3A_257 : vector<512x1xf32>
    %reduce_sum3A_259 = arith.constant dense<0.000000e+00> : vector<512xf32>
    %reduce_sum3A_260 = vector.multi_reduction <add>, %select_n3A_254, %reduce_sum3A_259 [0] : vector<512x512xf32> to vector<512xf32>
    %broadcast_in_dim3A_261 = vector.shape_cast %reduce_sum3A_260 : vector<512xf32> to vector<1x512xf32>
    %sub3A_262 = arith.constant 5.120000e+02 : f32
    %sub3A_263 = vector.broadcast %sub3A_262 : f32 to vector<1x512xf32>
    %sub3A_264 = arith.subf %sub3A_263, %broadcast_in_dim3A_261 : vector<1x512xf32>
    %add3A_265 = arith.addf %sub3A_127, %sub3A_264 : vector<1x512xf32>
    %slice3A_266 = vector.extract_strided_slice %get3A_4 {offsets = [0, 3584], sizes = [1, 512], strides = [1, 1]} : vector<1x4096xf32> to vector<1x512xf32>
    %gt3A_267 = vector.broadcast %slice3A_266 : vector<1x512xf32> to vector<512x512xf32>
    %gt3A_268 = vector.broadcast %slice3A_147 : vector<512x1xf32> to vector<512x512xf32>
    %gt3A_269 = arith.cmpf ogt, %gt3A_267, %gt3A_268 : vector<512x512xf32>
    %jit3A_270 = arith.constant 1.000000e+00 : f32
    %jit3A_271 = arith.constant 0.000000e+00 : f32
    %broadcast_in_dim3A_272 = vector.broadcast %jit3A_270 : f32 to vector<512x512xf32>
    %broadcast_in_dim3A_273 = vector.broadcast %jit3A_271 : f32 to vector<512x512xf32>
    %select_n3A_274 = arith.select %gt3A_269, %broadcast_in_dim3A_272, %broadcast_in_dim3A_273 : vector<512x512xi1>, vector<512x512xf32>
    %reduce_sum3A_275 = arith.constant dense<0.000000e+00> : vector<512xf32>
    %reduce_sum3A_276 = vector.multi_reduction <add>, %select_n3A_274, %reduce_sum3A_275 [1] : vector<512x512xf32> to vector<512xf32>
    %broadcast_in_dim3A_277 = vector.shape_cast %reduce_sum3A_276 : vector<512xf32> to vector<512x1xf32>
    %add3A_278 = arith.addf %add3A_258, %broadcast_in_dim3A_277 : vector<512x1xf32>
    %reduce_sum3A_279 = arith.constant dense<0.000000e+00> : vector<512xf32>
    %reduce_sum3A_280 = vector.multi_reduction <add>, %select_n3A_274, %reduce_sum3A_279 [0] : vector<512x512xf32> to vector<512xf32>
    %broadcast_in_dim3A_281 = vector.shape_cast %reduce_sum3A_280 : vector<512xf32> to vector<1x512xf32>
    %sub3A_282 = arith.constant 5.120000e+02 : f32
    %sub3A_283 = vector.broadcast %sub3A_282 : f32 to vector<1x512xf32>
    %sub3A_284 = arith.subf %sub3A_283, %broadcast_in_dim3A_281 : vector<1x512xf32>
    %add3A_285 = arith.addf %sub3A_146, %sub3A_284 : vector<1x512xf32>
    %slice3A_286 = vector.extract_strided_slice %get3A_1 {offsets = [1024, 0], sizes = [512, 1], strides = [1, 1]} : vector<4096x1xf32> to vector<512x1xf32>
    %slice3A_287 = vector.extract_strided_slice %get3A_4 {offsets = [0, 1024], sizes = [1, 512], strides = [1, 1]} : vector<1x4096xf32> to vector<1x512xf32>
    %gt3A_288 = vector.broadcast %slice3A_287 : vector<1x512xf32> to vector<512x512xf32>
    %gt3A_289 = vector.broadcast %slice3A_286 : vector<512x1xf32> to vector<512x512xf32>
    %gt3A_290 = arith.cmpf ogt, %gt3A_288, %gt3A_289 : vector<512x512xf32>
    %eq3A_291 = vector.broadcast %slice3A_287 : vector<1x512xf32> to vector<512x512xf32>
    %eq3A_292 = vector.broadcast %slice3A_286 : vector<512x1xf32> to vector<512x512xf32>
    %eq3A_293 = arith.cmpf oeq, %eq3A_291, %eq3A_292 : vector<512x512xf32>
    %lt3A_294 = arith.cmpi slt, %iota3A_5, %iota3A : vector<512x512xi32>
    %and3A_295 = arith.andi %eq3A_293, %lt3A_294 : vector<512x512xi1>
    %or3A_296 = arith.ori %gt3A_290, %and3A_295 : vector<512x512xi1>
    %jit3A_297 = arith.constant 1.000000e+00 : f32
    %jit3A_298 = arith.constant 0.000000e+00 : f32
    %broadcast_in_dim3A_299 = vector.broadcast %jit3A_297 : f32 to vector<512x512xf32>
    %broadcast_in_dim3A_300 = vector.broadcast %jit3A_298 : f32 to vector<512x512xf32>
    %select_n3A_301 = arith.select %or3A_296, %broadcast_in_dim3A_299, %broadcast_in_dim3A_300 : vector<512x512xi1>, vector<512x512xf32>
    %reduce_sum3A_302 = arith.constant dense<0.000000e+00> : vector<512xf32>
    %reduce_sum3A_303 = vector.multi_reduction <add>, %select_n3A_301, %reduce_sum3A_302 [1] : vector<512x512xf32> to vector<512xf32>
    %broadcast_in_dim3A_304 = vector.shape_cast %reduce_sum3A_303 : vector<512xf32> to vector<512x1xf32>
    %slice3A_305 = vector.extract_strided_slice %get3A_4 {offsets = [0, 1536], sizes = [1, 512], strides = [1, 1]} : vector<1x4096xf32> to vector<1x512xf32>
    %gt3A_306 = vector.broadcast %slice3A_305 : vector<1x512xf32> to vector<512x512xf32>
    %gt3A_307 = vector.broadcast %slice3A_286 : vector<512x1xf32> to vector<512x512xf32>
    %gt3A_308 = arith.cmpf ogt, %gt3A_306, %gt3A_307 : vector<512x512xf32>
    %jit3A_309 = arith.constant 1.000000e+00 : f32
    %jit3A_310 = arith.constant 0.000000e+00 : f32
    %broadcast_in_dim3A_311 = vector.broadcast %jit3A_309 : f32 to vector<512x512xf32>
    %broadcast_in_dim3A_312 = vector.broadcast %jit3A_310 : f32 to vector<512x512xf32>
    %select_n3A_313 = arith.select %gt3A_308, %broadcast_in_dim3A_311, %broadcast_in_dim3A_312 : vector<512x512xi1>, vector<512x512xf32>
    %reduce_sum3A_314 = arith.constant dense<0.000000e+00> : vector<512xf32>
    %reduce_sum3A_315 = vector.multi_reduction <add>, %select_n3A_313, %reduce_sum3A_314 [1] : vector<512x512xf32> to vector<512xf32>
    %broadcast_in_dim3A_316 = vector.shape_cast %reduce_sum3A_315 : vector<512xf32> to vector<512x1xf32>
    %add3A_317 = arith.addf %broadcast_in_dim3A_304, %broadcast_in_dim3A_316 : vector<512x1xf32>
    %reduce_sum3A_318 = arith.constant dense<0.000000e+00> : vector<512xf32>
    %reduce_sum3A_319 = vector.multi_reduction <add>, %select_n3A_313, %reduce_sum3A_318 [0] : vector<512x512xf32> to vector<512xf32>
    %broadcast_in_dim3A_320 = vector.shape_cast %reduce_sum3A_319 : vector<512xf32> to vector<1x512xf32>
    %sub3A_321 = arith.constant 5.120000e+02 : f32
    %sub3A_322 = vector.broadcast %sub3A_321 : f32 to vector<1x512xf32>
    %sub3A_323 = arith.subf %sub3A_322, %broadcast_in_dim3A_320 : vector<1x512xf32>
    %add3A_324 = arith.addf %add3A_205, %sub3A_323 : vector<1x512xf32>
    %slice3A_325 = vector.extract_strided_slice %get3A_4 {offsets = [0, 2048], sizes = [1, 512], strides = [1, 1]} : vector<1x4096xf32> to vector<1x512xf32>
    %gt3A_326 = vector.broadcast %slice3A_325 : vector<1x512xf32> to vector<512x512xf32>
    %gt3A_327 = vector.broadcast %slice3A_286 : vector<512x1xf32> to vector<512x512xf32>
    %gt3A_328 = arith.cmpf ogt, %gt3A_326, %gt3A_327 : vector<512x512xf32>
    %jit3A_329 = arith.constant 1.000000e+00 : f32
    %jit3A_330 = arith.constant 0.000000e+00 : f32
    %broadcast_in_dim3A_331 = vector.broadcast %jit3A_329 : f32 to vector<512x512xf32>
    %broadcast_in_dim3A_332 = vector.broadcast %jit3A_330 : f32 to vector<512x512xf32>
    %select_n3A_333 = arith.select %gt3A_328, %broadcast_in_dim3A_331, %broadcast_in_dim3A_332 : vector<512x512xi1>, vector<512x512xf32>
    %reduce_sum3A_334 = arith.constant dense<0.000000e+00> : vector<512xf32>
    %reduce_sum3A_335 = vector.multi_reduction <add>, %select_n3A_333, %reduce_sum3A_334 [1] : vector<512x512xf32> to vector<512xf32>
    %broadcast_in_dim3A_336 = vector.shape_cast %reduce_sum3A_335 : vector<512xf32> to vector<512x1xf32>
    %add3A_337 = arith.addf %add3A_317, %broadcast_in_dim3A_336 : vector<512x1xf32>
    %reduce_sum3A_338 = arith.constant dense<0.000000e+00> : vector<512xf32>
    %reduce_sum3A_339 = vector.multi_reduction <add>, %select_n3A_333, %reduce_sum3A_338 [0] : vector<512x512xf32> to vector<512xf32>
    %broadcast_in_dim3A_340 = vector.shape_cast %reduce_sum3A_339 : vector<512xf32> to vector<1x512xf32>
    %sub3A_341 = arith.constant 5.120000e+02 : f32
    %sub3A_342 = vector.broadcast %sub3A_341 : f32 to vector<1x512xf32>
    %sub3A_343 = arith.subf %sub3A_342, %broadcast_in_dim3A_340 : vector<1x512xf32>
    %add3A_344 = arith.addf %add3A_225, %sub3A_343 : vector<1x512xf32>
    %slice3A_345 = vector.extract_strided_slice %get3A_4 {offsets = [0, 2560], sizes = [1, 512], strides = [1, 1]} : vector<1x4096xf32> to vector<1x512xf32>
    %gt3A_346 = vector.broadcast %slice3A_345 : vector<1x512xf32> to vector<512x512xf32>
    %gt3A_347 = vector.broadcast %slice3A_286 : vector<512x1xf32> to vector<512x512xf32>
    %gt3A_348 = arith.cmpf ogt, %gt3A_346, %gt3A_347 : vector<512x512xf32>
    %jit3A_349 = arith.constant 1.000000e+00 : f32
    %jit3A_350 = arith.constant 0.000000e+00 : f32
    %broadcast_in_dim3A_351 = vector.broadcast %jit3A_349 : f32 to vector<512x512xf32>
    %broadcast_in_dim3A_352 = vector.broadcast %jit3A_350 : f32 to vector<512x512xf32>
    %select_n3A_353 = arith.select %gt3A_348, %broadcast_in_dim3A_351, %broadcast_in_dim3A_352 : vector<512x512xi1>, vector<512x512xf32>
    %reduce_sum3A_354 = arith.constant dense<0.000000e+00> : vector<512xf32>
    %reduce_sum3A_355 = vector.multi_reduction <add>, %select_n3A_353, %reduce_sum3A_354 [1] : vector<512x512xf32> to vector<512xf32>
    %broadcast_in_dim3A_356 = vector.shape_cast %reduce_sum3A_355 : vector<512xf32> to vector<512x1xf32>
    %add3A_357 = arith.addf %add3A_337, %broadcast_in_dim3A_356 : vector<512x1xf32>
    %reduce_sum3A_358 = arith.constant dense<0.000000e+00> : vector<512xf32>
    %reduce_sum3A_359 = vector.multi_reduction <add>, %select_n3A_353, %reduce_sum3A_358 [0] : vector<512x512xf32> to vector<512xf32>
    %broadcast_in_dim3A_360 = vector.shape_cast %reduce_sum3A_359 : vector<512xf32> to vector<1x512xf32>
    %sub3A_361 = arith.constant 5.120000e+02 : f32
    %sub3A_362 = vector.broadcast %sub3A_361 : f32 to vector<1x512xf32>
    %sub3A_363 = arith.subf %sub3A_362, %broadcast_in_dim3A_360 : vector<1x512xf32>
    %add3A_364 = arith.addf %add3A_245, %sub3A_363 : vector<1x512xf32>
    %slice3A_365 = vector.extract_strided_slice %get3A_4 {offsets = [0, 3072], sizes = [1, 512], strides = [1, 1]} : vector<1x4096xf32> to vector<1x512xf32>
    %gt3A_366 = vector.broadcast %slice3A_365 : vector<1x512xf32> to vector<512x512xf32>
    %gt3A_367 = vector.broadcast %slice3A_286 : vector<512x1xf32> to vector<512x512xf32>
    %gt3A_368 = arith.cmpf ogt, %gt3A_366, %gt3A_367 : vector<512x512xf32>
    %jit3A_369 = arith.constant 1.000000e+00 : f32
    %jit3A_370 = arith.constant 0.000000e+00 : f32
    %broadcast_in_dim3A_371 = vector.broadcast %jit3A_369 : f32 to vector<512x512xf32>
    %broadcast_in_dim3A_372 = vector.broadcast %jit3A_370 : f32 to vector<512x512xf32>
    %select_n3A_373 = arith.select %gt3A_368, %broadcast_in_dim3A_371, %broadcast_in_dim3A_372 : vector<512x512xi1>, vector<512x512xf32>
    %reduce_sum3A_374 = arith.constant dense<0.000000e+00> : vector<512xf32>
    %reduce_sum3A_375 = vector.multi_reduction <add>, %select_n3A_373, %reduce_sum3A_374 [1] : vector<512x512xf32> to vector<512xf32>
    %broadcast_in_dim3A_376 = vector.shape_cast %reduce_sum3A_375 : vector<512xf32> to vector<512x1xf32>
    %add3A_377 = arith.addf %add3A_357, %broadcast_in_dim3A_376 : vector<512x1xf32>
    %reduce_sum3A_378 = arith.constant dense<0.000000e+00> : vector<512xf32>
    %reduce_sum3A_379 = vector.multi_reduction <add>, %select_n3A_373, %reduce_sum3A_378 [0] : vector<512x512xf32> to vector<512xf32>
    %broadcast_in_dim3A_380 = vector.shape_cast %reduce_sum3A_379 : vector<512xf32> to vector<1x512xf32>
    %sub3A_381 = arith.constant 5.120000e+02 : f32
    %sub3A_382 = vector.broadcast %sub3A_381 : f32 to vector<1x512xf32>
    %sub3A_383 = arith.subf %sub3A_382, %broadcast_in_dim3A_380 : vector<1x512xf32>
    %add3A_384 = arith.addf %add3A_265, %sub3A_383 : vector<1x512xf32>
    %slice3A_385 = vector.extract_strided_slice %get3A_4 {offsets = [0, 3584], sizes = [1, 512], strides = [1, 1]} : vector<1x4096xf32> to vector<1x512xf32>
    %gt3A_386 = vector.broadcast %slice3A_385 : vector<1x512xf32> to vector<512x512xf32>
    %gt3A_387 = vector.broadcast %slice3A_286 : vector<512x1xf32> to vector<512x512xf32>
    %gt3A_388 = arith.cmpf ogt, %gt3A_386, %gt3A_387 : vector<512x512xf32>
    %jit3A_389 = arith.constant 1.000000e+00 : f32
    %jit3A_390 = arith.constant 0.000000e+00 : f32
    %broadcast_in_dim3A_391 = vector.broadcast %jit3A_389 : f32 to vector<512x512xf32>
    %broadcast_in_dim3A_392 = vector.broadcast %jit3A_390 : f32 to vector<512x512xf32>
    %select_n3A_393 = arith.select %gt3A_388, %broadcast_in_dim3A_391, %broadcast_in_dim3A_392 : vector<512x512xi1>, vector<512x512xf32>
    %reduce_sum3A_394 = arith.constant dense<0.000000e+00> : vector<512xf32>
    %reduce_sum3A_395 = vector.multi_reduction <add>, %select_n3A_393, %reduce_sum3A_394 [1] : vector<512x512xf32> to vector<512xf32>
    %broadcast_in_dim3A_396 = vector.shape_cast %reduce_sum3A_395 : vector<512xf32> to vector<512x1xf32>
    %add3A_397 = arith.addf %add3A_377, %broadcast_in_dim3A_396 : vector<512x1xf32>
    %reduce_sum3A_398 = arith.constant dense<0.000000e+00> : vector<512xf32>
    %reduce_sum3A_399 = vector.multi_reduction <add>, %select_n3A_393, %reduce_sum3A_398 [0] : vector<512x512xf32> to vector<512xf32>
    %broadcast_in_dim3A_400 = vector.shape_cast %reduce_sum3A_399 : vector<512xf32> to vector<1x512xf32>
    %sub3A_401 = arith.constant 5.120000e+02 : f32
    %sub3A_402 = vector.broadcast %sub3A_401 : f32 to vector<1x512xf32>
    %sub3A_403 = arith.subf %sub3A_402, %broadcast_in_dim3A_400 : vector<1x512xf32>
    %add3A_404 = arith.addf %add3A_285, %sub3A_403 : vector<1x512xf32>
    %slice3A_405 = vector.extract_strided_slice %get3A_1 {offsets = [1536, 0], sizes = [512, 1], strides = [1, 1]} : vector<4096x1xf32> to vector<512x1xf32>
    %slice3A_406 = vector.extract_strided_slice %get3A_4 {offsets = [0, 1536], sizes = [1, 512], strides = [1, 1]} : vector<1x4096xf32> to vector<1x512xf32>
    %gt3A_407 = vector.broadcast %slice3A_406 : vector<1x512xf32> to vector<512x512xf32>
    %gt3A_408 = vector.broadcast %slice3A_405 : vector<512x1xf32> to vector<512x512xf32>
    %gt3A_409 = arith.cmpf ogt, %gt3A_407, %gt3A_408 : vector<512x512xf32>
    %eq3A_410 = vector.broadcast %slice3A_406 : vector<1x512xf32> to vector<512x512xf32>
    %eq3A_411 = vector.broadcast %slice3A_405 : vector<512x1xf32> to vector<512x512xf32>
    %eq3A_412 = arith.cmpf oeq, %eq3A_410, %eq3A_411 : vector<512x512xf32>
    %lt3A_413 = arith.cmpi slt, %iota3A_5, %iota3A : vector<512x512xi32>
    %and3A_414 = arith.andi %eq3A_412, %lt3A_413 : vector<512x512xi1>
    %or3A_415 = arith.ori %gt3A_409, %and3A_414 : vector<512x512xi1>
    %jit3A_416 = arith.constant 1.000000e+00 : f32
    %jit3A_417 = arith.constant 0.000000e+00 : f32
    %broadcast_in_dim3A_418 = vector.broadcast %jit3A_416 : f32 to vector<512x512xf32>
    %broadcast_in_dim3A_419 = vector.broadcast %jit3A_417 : f32 to vector<512x512xf32>
    %select_n3A_420 = arith.select %or3A_415, %broadcast_in_dim3A_418, %broadcast_in_dim3A_419 : vector<512x512xi1>, vector<512x512xf32>
    %reduce_sum3A_421 = arith.constant dense<0.000000e+00> : vector<512xf32>
    %reduce_sum3A_422 = vector.multi_reduction <add>, %select_n3A_420, %reduce_sum3A_421 [1] : vector<512x512xf32> to vector<512xf32>
    %broadcast_in_dim3A_423 = vector.shape_cast %reduce_sum3A_422 : vector<512xf32> to vector<512x1xf32>
    %slice3A_424 = vector.extract_strided_slice %get3A_4 {offsets = [0, 2048], sizes = [1, 512], strides = [1, 1]} : vector<1x4096xf32> to vector<1x512xf32>
    %gt3A_425 = vector.broadcast %slice3A_424 : vector<1x512xf32> to vector<512x512xf32>
    %gt3A_426 = vector.broadcast %slice3A_405 : vector<512x1xf32> to vector<512x512xf32>
    %gt3A_427 = arith.cmpf ogt, %gt3A_425, %gt3A_426 : vector<512x512xf32>
    %jit3A_428 = arith.constant 1.000000e+00 : f32
    %jit3A_429 = arith.constant 0.000000e+00 : f32
    %broadcast_in_dim3A_430 = vector.broadcast %jit3A_428 : f32 to vector<512x512xf32>
    %broadcast_in_dim3A_431 = vector.broadcast %jit3A_429 : f32 to vector<512x512xf32>
    %select_n3A_432 = arith.select %gt3A_427, %broadcast_in_dim3A_430, %broadcast_in_dim3A_431 : vector<512x512xi1>, vector<512x512xf32>
    %reduce_sum3A_433 = arith.constant dense<0.000000e+00> : vector<512xf32>
    %reduce_sum3A_434 = vector.multi_reduction <add>, %select_n3A_432, %reduce_sum3A_433 [1] : vector<512x512xf32> to vector<512xf32>
    %broadcast_in_dim3A_435 = vector.shape_cast %reduce_sum3A_434 : vector<512xf32> to vector<512x1xf32>
    %add3A_436 = arith.addf %broadcast_in_dim3A_423, %broadcast_in_dim3A_435 : vector<512x1xf32>
    %reduce_sum3A_437 = arith.constant dense<0.000000e+00> : vector<512xf32>
    %reduce_sum3A_438 = vector.multi_reduction <add>, %select_n3A_432, %reduce_sum3A_437 [0] : vector<512x512xf32> to vector<512xf32>
    %broadcast_in_dim3A_439 = vector.shape_cast %reduce_sum3A_438 : vector<512xf32> to vector<1x512xf32>
    %sub3A_440 = arith.constant 5.120000e+02 : f32
    %sub3A_441 = vector.broadcast %sub3A_440 : f32 to vector<1x512xf32>
    %sub3A_442 = arith.subf %sub3A_441, %broadcast_in_dim3A_439 : vector<1x512xf32>
    %add3A_443 = arith.addf %add3A_344, %sub3A_442 : vector<1x512xf32>
    %slice3A_444 = vector.extract_strided_slice %get3A_4 {offsets = [0, 2560], sizes = [1, 512], strides = [1, 1]} : vector<1x4096xf32> to vector<1x512xf32>
    %gt3A_445 = vector.broadcast %slice3A_444 : vector<1x512xf32> to vector<512x512xf32>
    %gt3A_446 = vector.broadcast %slice3A_405 : vector<512x1xf32> to vector<512x512xf32>
    %gt3A_447 = arith.cmpf ogt, %gt3A_445, %gt3A_446 : vector<512x512xf32>
    %jit3A_448 = arith.constant 1.000000e+00 : f32
    %jit3A_449 = arith.constant 0.000000e+00 : f32
    %broadcast_in_dim3A_450 = vector.broadcast %jit3A_448 : f32 to vector<512x512xf32>
    %broadcast_in_dim3A_451 = vector.broadcast %jit3A_449 : f32 to vector<512x512xf32>
    %select_n3A_452 = arith.select %gt3A_447, %broadcast_in_dim3A_450, %broadcast_in_dim3A_451 : vector<512x512xi1>, vector<512x512xf32>
    %reduce_sum3A_453 = arith.constant dense<0.000000e+00> : vector<512xf32>
    %reduce_sum3A_454 = vector.multi_reduction <add>, %select_n3A_452, %reduce_sum3A_453 [1] : vector<512x512xf32> to vector<512xf32>
    %broadcast_in_dim3A_455 = vector.shape_cast %reduce_sum3A_454 : vector<512xf32> to vector<512x1xf32>
    %add3A_456 = arith.addf %add3A_436, %broadcast_in_dim3A_455 : vector<512x1xf32>
    %reduce_sum3A_457 = arith.constant dense<0.000000e+00> : vector<512xf32>
    %reduce_sum3A_458 = vector.multi_reduction <add>, %select_n3A_452, %reduce_sum3A_457 [0] : vector<512x512xf32> to vector<512xf32>
    %broadcast_in_dim3A_459 = vector.shape_cast %reduce_sum3A_458 : vector<512xf32> to vector<1x512xf32>
    %sub3A_460 = arith.constant 5.120000e+02 : f32
    %sub3A_461 = vector.broadcast %sub3A_460 : f32 to vector<1x512xf32>
    %sub3A_462 = arith.subf %sub3A_461, %broadcast_in_dim3A_459 : vector<1x512xf32>
    %add3A_463 = arith.addf %add3A_364, %sub3A_462 : vector<1x512xf32>
    %slice3A_464 = vector.extract_strided_slice %get3A_4 {offsets = [0, 3072], sizes = [1, 512], strides = [1, 1]} : vector<1x4096xf32> to vector<1x512xf32>
    %gt3A_465 = vector.broadcast %slice3A_464 : vector<1x512xf32> to vector<512x512xf32>
    %gt3A_466 = vector.broadcast %slice3A_405 : vector<512x1xf32> to vector<512x512xf32>
    %gt3A_467 = arith.cmpf ogt, %gt3A_465, %gt3A_466 : vector<512x512xf32>
    %jit3A_468 = arith.constant 1.000000e+00 : f32
    %jit3A_469 = arith.constant 0.000000e+00 : f32
    %broadcast_in_dim3A_470 = vector.broadcast %jit3A_468 : f32 to vector<512x512xf32>
    %broadcast_in_dim3A_471 = vector.broadcast %jit3A_469 : f32 to vector<512x512xf32>
    %select_n3A_472 = arith.select %gt3A_467, %broadcast_in_dim3A_470, %broadcast_in_dim3A_471 : vector<512x512xi1>, vector<512x512xf32>
    %reduce_sum3A_473 = arith.constant dense<0.000000e+00> : vector<512xf32>
    %reduce_sum3A_474 = vector.multi_reduction <add>, %select_n3A_472, %reduce_sum3A_473 [1] : vector<512x512xf32> to vector<512xf32>
    %broadcast_in_dim3A_475 = vector.shape_cast %reduce_sum3A_474 : vector<512xf32> to vector<512x1xf32>
    %add3A_476 = arith.addf %add3A_456, %broadcast_in_dim3A_475 : vector<512x1xf32>
    %reduce_sum3A_477 = arith.constant dense<0.000000e+00> : vector<512xf32>
    %reduce_sum3A_478 = vector.multi_reduction <add>, %select_n3A_472, %reduce_sum3A_477 [0] : vector<512x512xf32> to vector<512xf32>
    %broadcast_in_dim3A_479 = vector.shape_cast %reduce_sum3A_478 : vector<512xf32> to vector<1x512xf32>
    %sub3A_480 = arith.constant 5.120000e+02 : f32
    %sub3A_481 = vector.broadcast %sub3A_480 : f32 to vector<1x512xf32>
    %sub3A_482 = arith.subf %sub3A_481, %broadcast_in_dim3A_479 : vector<1x512xf32>
    %add3A_483 = arith.addf %add3A_384, %sub3A_482 : vector<1x512xf32>
    %slice3A_484 = vector.extract_strided_slice %get3A_4 {offsets = [0, 3584], sizes = [1, 512], strides = [1, 1]} : vector<1x4096xf32> to vector<1x512xf32>
    %gt3A_485 = vector.broadcast %slice3A_484 : vector<1x512xf32> to vector<512x512xf32>
    %gt3A_486 = vector.broadcast %slice3A_405 : vector<512x1xf32> to vector<512x512xf32>
    %gt3A_487 = arith.cmpf ogt, %gt3A_485, %gt3A_486 : vector<512x512xf32>
    %jit3A_488 = arith.constant 1.000000e+00 : f32
    %jit3A_489 = arith.constant 0.000000e+00 : f32
    %broadcast_in_dim3A_490 = vector.broadcast %jit3A_488 : f32 to vector<512x512xf32>
    %broadcast_in_dim3A_491 = vector.broadcast %jit3A_489 : f32 to vector<512x512xf32>
    %select_n3A_492 = arith.select %gt3A_487, %broadcast_in_dim3A_490, %broadcast_in_dim3A_491 : vector<512x512xi1>, vector<512x512xf32>
    %reduce_sum3A_493 = arith.constant dense<0.000000e+00> : vector<512xf32>
    %reduce_sum3A_494 = vector.multi_reduction <add>, %select_n3A_492, %reduce_sum3A_493 [1] : vector<512x512xf32> to vector<512xf32>
    %broadcast_in_dim3A_495 = vector.shape_cast %reduce_sum3A_494 : vector<512xf32> to vector<512x1xf32>
    %add3A_496 = arith.addf %add3A_476, %broadcast_in_dim3A_495 : vector<512x1xf32>
    %reduce_sum3A_497 = arith.constant dense<0.000000e+00> : vector<512xf32>
    %reduce_sum3A_498 = vector.multi_reduction <add>, %select_n3A_492, %reduce_sum3A_497 [0] : vector<512x512xf32> to vector<512xf32>
    %broadcast_in_dim3A_499 = vector.shape_cast %reduce_sum3A_498 : vector<512xf32> to vector<1x512xf32>
    %sub3A_500 = arith.constant 5.120000e+02 : f32
    %sub3A_501 = vector.broadcast %sub3A_500 : f32 to vector<1x512xf32>
    %sub3A_502 = arith.subf %sub3A_501, %broadcast_in_dim3A_499 : vector<1x512xf32>
    %add3A_503 = arith.addf %add3A_404, %sub3A_502 : vector<1x512xf32>
    %slice3A_504 = vector.extract_strided_slice %get3A_1 {offsets = [2048, 0], sizes = [512, 1], strides = [1, 1]} : vector<4096x1xf32> to vector<512x1xf32>
    %slice3A_505 = vector.extract_strided_slice %get3A_4 {offsets = [0, 2048], sizes = [1, 512], strides = [1, 1]} : vector<1x4096xf32> to vector<1x512xf32>
    %gt3A_506 = vector.broadcast %slice3A_505 : vector<1x512xf32> to vector<512x512xf32>
    %gt3A_507 = vector.broadcast %slice3A_504 : vector<512x1xf32> to vector<512x512xf32>
    %gt3A_508 = arith.cmpf ogt, %gt3A_506, %gt3A_507 : vector<512x512xf32>
    %eq3A_509 = vector.broadcast %slice3A_505 : vector<1x512xf32> to vector<512x512xf32>
    %eq3A_510 = vector.broadcast %slice3A_504 : vector<512x1xf32> to vector<512x512xf32>
    %eq3A_511 = arith.cmpf oeq, %eq3A_509, %eq3A_510 : vector<512x512xf32>
    %lt3A_512 = arith.cmpi slt, %iota3A_5, %iota3A : vector<512x512xi32>
    %and3A_513 = arith.andi %eq3A_511, %lt3A_512 : vector<512x512xi1>
    %or3A_514 = arith.ori %gt3A_508, %and3A_513 : vector<512x512xi1>
    %jit3A_515 = arith.constant 1.000000e+00 : f32
    %jit3A_516 = arith.constant 0.000000e+00 : f32
    %broadcast_in_dim3A_517 = vector.broadcast %jit3A_515 : f32 to vector<512x512xf32>
    %broadcast_in_dim3A_518 = vector.broadcast %jit3A_516 : f32 to vector<512x512xf32>
    %select_n3A_519 = arith.select %or3A_514, %broadcast_in_dim3A_517, %broadcast_in_dim3A_518 : vector<512x512xi1>, vector<512x512xf32>
    %reduce_sum3A_520 = arith.constant dense<0.000000e+00> : vector<512xf32>
    %reduce_sum3A_521 = vector.multi_reduction <add>, %select_n3A_519, %reduce_sum3A_520 [1] : vector<512x512xf32> to vector<512xf32>
    %broadcast_in_dim3A_522 = vector.shape_cast %reduce_sum3A_521 : vector<512xf32> to vector<512x1xf32>
    %slice3A_523 = vector.extract_strided_slice %get3A_4 {offsets = [0, 2560], sizes = [1, 512], strides = [1, 1]} : vector<1x4096xf32> to vector<1x512xf32>
    %gt3A_524 = vector.broadcast %slice3A_523 : vector<1x512xf32> to vector<512x512xf32>
    %gt3A_525 = vector.broadcast %slice3A_504 : vector<512x1xf32> to vector<512x512xf32>
    %gt3A_526 = arith.cmpf ogt, %gt3A_524, %gt3A_525 : vector<512x512xf32>
    %jit3A_527 = arith.constant 1.000000e+00 : f32
    %jit3A_528 = arith.constant 0.000000e+00 : f32
    %broadcast_in_dim3A_529 = vector.broadcast %jit3A_527 : f32 to vector<512x512xf32>
    %broadcast_in_dim3A_530 = vector.broadcast %jit3A_528 : f32 to vector<512x512xf32>
    %select_n3A_531 = arith.select %gt3A_526, %broadcast_in_dim3A_529, %broadcast_in_dim3A_530 : vector<512x512xi1>, vector<512x512xf32>
    %reduce_sum3A_532 = arith.constant dense<0.000000e+00> : vector<512xf32>
    %reduce_sum3A_533 = vector.multi_reduction <add>, %select_n3A_531, %reduce_sum3A_532 [1] : vector<512x512xf32> to vector<512xf32>
    %broadcast_in_dim3A_534 = vector.shape_cast %reduce_sum3A_533 : vector<512xf32> to vector<512x1xf32>
    %add3A_535 = arith.addf %broadcast_in_dim3A_522, %broadcast_in_dim3A_534 : vector<512x1xf32>
    %reduce_sum3A_536 = arith.constant dense<0.000000e+00> : vector<512xf32>
    %reduce_sum3A_537 = vector.multi_reduction <add>, %select_n3A_531, %reduce_sum3A_536 [0] : vector<512x512xf32> to vector<512xf32>
    %broadcast_in_dim3A_538 = vector.shape_cast %reduce_sum3A_537 : vector<512xf32> to vector<1x512xf32>
    %sub3A_539 = arith.constant 5.120000e+02 : f32
    %sub3A_540 = vector.broadcast %sub3A_539 : f32 to vector<1x512xf32>
    %sub3A_541 = arith.subf %sub3A_540, %broadcast_in_dim3A_538 : vector<1x512xf32>
    %add3A_542 = arith.addf %add3A_463, %sub3A_541 : vector<1x512xf32>
    %slice3A_543 = vector.extract_strided_slice %get3A_4 {offsets = [0, 3072], sizes = [1, 512], strides = [1, 1]} : vector<1x4096xf32> to vector<1x512xf32>
    %gt3A_544 = vector.broadcast %slice3A_543 : vector<1x512xf32> to vector<512x512xf32>
    %gt3A_545 = vector.broadcast %slice3A_504 : vector<512x1xf32> to vector<512x512xf32>
    %gt3A_546 = arith.cmpf ogt, %gt3A_544, %gt3A_545 : vector<512x512xf32>
    %jit3A_547 = arith.constant 1.000000e+00 : f32
    %jit3A_548 = arith.constant 0.000000e+00 : f32
    %broadcast_in_dim3A_549 = vector.broadcast %jit3A_547 : f32 to vector<512x512xf32>
    %broadcast_in_dim3A_550 = vector.broadcast %jit3A_548 : f32 to vector<512x512xf32>
    %select_n3A_551 = arith.select %gt3A_546, %broadcast_in_dim3A_549, %broadcast_in_dim3A_550 : vector<512x512xi1>, vector<512x512xf32>
    %reduce_sum3A_552 = arith.constant dense<0.000000e+00> : vector<512xf32>
    %reduce_sum3A_553 = vector.multi_reduction <add>, %select_n3A_551, %reduce_sum3A_552 [1] : vector<512x512xf32> to vector<512xf32>
    %broadcast_in_dim3A_554 = vector.shape_cast %reduce_sum3A_553 : vector<512xf32> to vector<512x1xf32>
    %add3A_555 = arith.addf %add3A_535, %broadcast_in_dim3A_554 : vector<512x1xf32>
    %reduce_sum3A_556 = arith.constant dense<0.000000e+00> : vector<512xf32>
    %reduce_sum3A_557 = vector.multi_reduction <add>, %select_n3A_551, %reduce_sum3A_556 [0] : vector<512x512xf32> to vector<512xf32>
    %broadcast_in_dim3A_558 = vector.shape_cast %reduce_sum3A_557 : vector<512xf32> to vector<1x512xf32>
    %sub3A_559 = arith.constant 5.120000e+02 : f32
    %sub3A_560 = vector.broadcast %sub3A_559 : f32 to vector<1x512xf32>
    %sub3A_561 = arith.subf %sub3A_560, %broadcast_in_dim3A_558 : vector<1x512xf32>
    %add3A_562 = arith.addf %add3A_483, %sub3A_561 : vector<1x512xf32>
    %slice3A_563 = vector.extract_strided_slice %get3A_4 {offsets = [0, 3584], sizes = [1, 512], strides = [1, 1]} : vector<1x4096xf32> to vector<1x512xf32>
    %gt3A_564 = vector.broadcast %slice3A_563 : vector<1x512xf32> to vector<512x512xf32>
    %gt3A_565 = vector.broadcast %slice3A_504 : vector<512x1xf32> to vector<512x512xf32>
    %gt3A_566 = arith.cmpf ogt, %gt3A_564, %gt3A_565 : vector<512x512xf32>
    %jit3A_567 = arith.constant 1.000000e+00 : f32
    %jit3A_568 = arith.constant 0.000000e+00 : f32
    %broadcast_in_dim3A_569 = vector.broadcast %jit3A_567 : f32 to vector<512x512xf32>
    %broadcast_in_dim3A_570 = vector.broadcast %jit3A_568 : f32 to vector<512x512xf32>
    %select_n3A_571 = arith.select %gt3A_566, %broadcast_in_dim3A_569, %broadcast_in_dim3A_570 : vector<512x512xi1>, vector<512x512xf32>
    %reduce_sum3A_572 = arith.constant dense<0.000000e+00> : vector<512xf32>
    %reduce_sum3A_573 = vector.multi_reduction <add>, %select_n3A_571, %reduce_sum3A_572 [1] : vector<512x512xf32> to vector<512xf32>
    %broadcast_in_dim3A_574 = vector.shape_cast %reduce_sum3A_573 : vector<512xf32> to vector<512x1xf32>
    %add3A_575 = arith.addf %add3A_555, %broadcast_in_dim3A_574 : vector<512x1xf32>
    %reduce_sum3A_576 = arith.constant dense<0.000000e+00> : vector<512xf32>
    %reduce_sum3A_577 = vector.multi_reduction <add>, %select_n3A_571, %reduce_sum3A_576 [0] : vector<512x512xf32> to vector<512xf32>
    %broadcast_in_dim3A_578 = vector.shape_cast %reduce_sum3A_577 : vector<512xf32> to vector<1x512xf32>
    %sub3A_579 = arith.constant 5.120000e+02 : f32
    %sub3A_580 = vector.broadcast %sub3A_579 : f32 to vector<1x512xf32>
    %sub3A_581 = arith.subf %sub3A_580, %broadcast_in_dim3A_578 : vector<1x512xf32>
    %add3A_582 = arith.addf %add3A_503, %sub3A_581 : vector<1x512xf32>
    %slice3A_583 = vector.extract_strided_slice %get3A_1 {offsets = [2560, 0], sizes = [512, 1], strides = [1, 1]} : vector<4096x1xf32> to vector<512x1xf32>
    %slice3A_584 = vector.extract_strided_slice %get3A_4 {offsets = [0, 2560], sizes = [1, 512], strides = [1, 1]} : vector<1x4096xf32> to vector<1x512xf32>
    %gt3A_585 = vector.broadcast %slice3A_584 : vector<1x512xf32> to vector<512x512xf32>
    %gt3A_586 = vector.broadcast %slice3A_583 : vector<512x1xf32> to vector<512x512xf32>
    %gt3A_587 = arith.cmpf ogt, %gt3A_585, %gt3A_586 : vector<512x512xf32>
    %eq3A_588 = vector.broadcast %slice3A_584 : vector<1x512xf32> to vector<512x512xf32>
    %eq3A_589 = vector.broadcast %slice3A_583 : vector<512x1xf32> to vector<512x512xf32>
    %eq3A_590 = arith.cmpf oeq, %eq3A_588, %eq3A_589 : vector<512x512xf32>
    %lt3A_591 = arith.cmpi slt, %iota3A_5, %iota3A : vector<512x512xi32>
    %and3A_592 = arith.andi %eq3A_590, %lt3A_591 : vector<512x512xi1>
    %or3A_593 = arith.ori %gt3A_587, %and3A_592 : vector<512x512xi1>
    %jit3A_594 = arith.constant 1.000000e+00 : f32
    %jit3A_595 = arith.constant 0.000000e+00 : f32
    %broadcast_in_dim3A_596 = vector.broadcast %jit3A_594 : f32 to vector<512x512xf32>
    %broadcast_in_dim3A_597 = vector.broadcast %jit3A_595 : f32 to vector<512x512xf32>
    %select_n3A_598 = arith.select %or3A_593, %broadcast_in_dim3A_596, %broadcast_in_dim3A_597 : vector<512x512xi1>, vector<512x512xf32>
    %reduce_sum3A_599 = arith.constant dense<0.000000e+00> : vector<512xf32>
    %reduce_sum3A_600 = vector.multi_reduction <add>, %select_n3A_598, %reduce_sum3A_599 [1] : vector<512x512xf32> to vector<512xf32>
    %broadcast_in_dim3A_601 = vector.shape_cast %reduce_sum3A_600 : vector<512xf32> to vector<512x1xf32>
    %slice3A_602 = vector.extract_strided_slice %get3A_4 {offsets = [0, 3072], sizes = [1, 512], strides = [1, 1]} : vector<1x4096xf32> to vector<1x512xf32>
    %gt3A_603 = vector.broadcast %slice3A_602 : vector<1x512xf32> to vector<512x512xf32>
    %gt3A_604 = vector.broadcast %slice3A_583 : vector<512x1xf32> to vector<512x512xf32>
    %gt3A_605 = arith.cmpf ogt, %gt3A_603, %gt3A_604 : vector<512x512xf32>
    %jit3A_606 = arith.constant 1.000000e+00 : f32
    %jit3A_607 = arith.constant 0.000000e+00 : f32
    %broadcast_in_dim3A_608 = vector.broadcast %jit3A_606 : f32 to vector<512x512xf32>
    %broadcast_in_dim3A_609 = vector.broadcast %jit3A_607 : f32 to vector<512x512xf32>
    %select_n3A_610 = arith.select %gt3A_605, %broadcast_in_dim3A_608, %broadcast_in_dim3A_609 : vector<512x512xi1>, vector<512x512xf32>
    %reduce_sum3A_611 = arith.constant dense<0.000000e+00> : vector<512xf32>
    %reduce_sum3A_612 = vector.multi_reduction <add>, %select_n3A_610, %reduce_sum3A_611 [1] : vector<512x512xf32> to vector<512xf32>
    %broadcast_in_dim3A_613 = vector.shape_cast %reduce_sum3A_612 : vector<512xf32> to vector<512x1xf32>
    %add3A_614 = arith.addf %broadcast_in_dim3A_601, %broadcast_in_dim3A_613 : vector<512x1xf32>
    %reduce_sum3A_615 = arith.constant dense<0.000000e+00> : vector<512xf32>
    %reduce_sum3A_616 = vector.multi_reduction <add>, %select_n3A_610, %reduce_sum3A_615 [0] : vector<512x512xf32> to vector<512xf32>
    %broadcast_in_dim3A_617 = vector.shape_cast %reduce_sum3A_616 : vector<512xf32> to vector<1x512xf32>
    %sub3A_618 = arith.constant 5.120000e+02 : f32
    %sub3A_619 = vector.broadcast %sub3A_618 : f32 to vector<1x512xf32>
    %sub3A_620 = arith.subf %sub3A_619, %broadcast_in_dim3A_617 : vector<1x512xf32>
    %add3A_621 = arith.addf %add3A_562, %sub3A_620 : vector<1x512xf32>
    %slice3A_622 = vector.extract_strided_slice %get3A_4 {offsets = [0, 3584], sizes = [1, 512], strides = [1, 1]} : vector<1x4096xf32> to vector<1x512xf32>
    %gt3A_623 = vector.broadcast %slice3A_622 : vector<1x512xf32> to vector<512x512xf32>
    %gt3A_624 = vector.broadcast %slice3A_583 : vector<512x1xf32> to vector<512x512xf32>
    %gt3A_625 = arith.cmpf ogt, %gt3A_623, %gt3A_624 : vector<512x512xf32>
    %jit3A_626 = arith.constant 1.000000e+00 : f32
    %jit3A_627 = arith.constant 0.000000e+00 : f32
    %broadcast_in_dim3A_628 = vector.broadcast %jit3A_626 : f32 to vector<512x512xf32>
    %broadcast_in_dim3A_629 = vector.broadcast %jit3A_627 : f32 to vector<512x512xf32>
    %select_n3A_630 = arith.select %gt3A_625, %broadcast_in_dim3A_628, %broadcast_in_dim3A_629 : vector<512x512xi1>, vector<512x512xf32>
    %reduce_sum3A_631 = arith.constant dense<0.000000e+00> : vector<512xf32>
    %reduce_sum3A_632 = vector.multi_reduction <add>, %select_n3A_630, %reduce_sum3A_631 [1] : vector<512x512xf32> to vector<512xf32>
    %broadcast_in_dim3A_633 = vector.shape_cast %reduce_sum3A_632 : vector<512xf32> to vector<512x1xf32>
    %add3A_634 = arith.addf %add3A_614, %broadcast_in_dim3A_633 : vector<512x1xf32>
    %reduce_sum3A_635 = arith.constant dense<0.000000e+00> : vector<512xf32>
    %reduce_sum3A_636 = vector.multi_reduction <add>, %select_n3A_630, %reduce_sum3A_635 [0] : vector<512x512xf32> to vector<512xf32>
    %broadcast_in_dim3A_637 = vector.shape_cast %reduce_sum3A_636 : vector<512xf32> to vector<1x512xf32>
    %sub3A_638 = arith.constant 5.120000e+02 : f32
    %sub3A_639 = vector.broadcast %sub3A_638 : f32 to vector<1x512xf32>
    %sub3A_640 = arith.subf %sub3A_639, %broadcast_in_dim3A_637 : vector<1x512xf32>
    %add3A_641 = arith.addf %add3A_582, %sub3A_640 : vector<1x512xf32>
    %slice3A_642 = vector.extract_strided_slice %get3A_1 {offsets = [3072, 0], sizes = [512, 1], strides = [1, 1]} : vector<4096x1xf32> to vector<512x1xf32>
    %slice3A_643 = vector.extract_strided_slice %get3A_4 {offsets = [0, 3072], sizes = [1, 512], strides = [1, 1]} : vector<1x4096xf32> to vector<1x512xf32>
    %gt3A_644 = vector.broadcast %slice3A_643 : vector<1x512xf32> to vector<512x512xf32>
    %gt3A_645 = vector.broadcast %slice3A_642 : vector<512x1xf32> to vector<512x512xf32>
    %gt3A_646 = arith.cmpf ogt, %gt3A_644, %gt3A_645 : vector<512x512xf32>
    %eq3A_647 = vector.broadcast %slice3A_643 : vector<1x512xf32> to vector<512x512xf32>
    %eq3A_648 = vector.broadcast %slice3A_642 : vector<512x1xf32> to vector<512x512xf32>
    %eq3A_649 = arith.cmpf oeq, %eq3A_647, %eq3A_648 : vector<512x512xf32>
    %lt3A_650 = arith.cmpi slt, %iota3A_5, %iota3A : vector<512x512xi32>
    %and3A_651 = arith.andi %eq3A_649, %lt3A_650 : vector<512x512xi1>
    %or3A_652 = arith.ori %gt3A_646, %and3A_651 : vector<512x512xi1>
    %jit3A_653 = arith.constant 1.000000e+00 : f32
    %jit3A_654 = arith.constant 0.000000e+00 : f32
    %broadcast_in_dim3A_655 = vector.broadcast %jit3A_653 : f32 to vector<512x512xf32>
    %broadcast_in_dim3A_656 = vector.broadcast %jit3A_654 : f32 to vector<512x512xf32>
    %select_n3A_657 = arith.select %or3A_652, %broadcast_in_dim3A_655, %broadcast_in_dim3A_656 : vector<512x512xi1>, vector<512x512xf32>
    %reduce_sum3A_658 = arith.constant dense<0.000000e+00> : vector<512xf32>
    %reduce_sum3A_659 = vector.multi_reduction <add>, %select_n3A_657, %reduce_sum3A_658 [1] : vector<512x512xf32> to vector<512xf32>
    %broadcast_in_dim3A_660 = vector.shape_cast %reduce_sum3A_659 : vector<512xf32> to vector<512x1xf32>
    %slice3A_661 = vector.extract_strided_slice %get3A_4 {offsets = [0, 3584], sizes = [1, 512], strides = [1, 1]} : vector<1x4096xf32> to vector<1x512xf32>
    %gt3A_662 = vector.broadcast %slice3A_661 : vector<1x512xf32> to vector<512x512xf32>
    %gt3A_663 = vector.broadcast %slice3A_642 : vector<512x1xf32> to vector<512x512xf32>
    %gt3A_664 = arith.cmpf ogt, %gt3A_662, %gt3A_663 : vector<512x512xf32>
    %jit3A_665 = arith.constant 1.000000e+00 : f32
    %jit3A_666 = arith.constant 0.000000e+00 : f32
    %broadcast_in_dim3A_667 = vector.broadcast %jit3A_665 : f32 to vector<512x512xf32>
    %broadcast_in_dim3A_668 = vector.broadcast %jit3A_666 : f32 to vector<512x512xf32>
    %select_n3A_669 = arith.select %gt3A_664, %broadcast_in_dim3A_667, %broadcast_in_dim3A_668 : vector<512x512xi1>, vector<512x512xf32>
    %reduce_sum3A_670 = arith.constant dense<0.000000e+00> : vector<512xf32>
    %reduce_sum3A_671 = vector.multi_reduction <add>, %select_n3A_669, %reduce_sum3A_670 [1] : vector<512x512xf32> to vector<512xf32>
    %broadcast_in_dim3A_672 = vector.shape_cast %reduce_sum3A_671 : vector<512xf32> to vector<512x1xf32>
    %add3A_673 = arith.addf %broadcast_in_dim3A_660, %broadcast_in_dim3A_672 : vector<512x1xf32>
    %reduce_sum3A_674 = arith.constant dense<0.000000e+00> : vector<512xf32>
    %reduce_sum3A_675 = vector.multi_reduction <add>, %select_n3A_669, %reduce_sum3A_674 [0] : vector<512x512xf32> to vector<512xf32>
    %broadcast_in_dim3A_676 = vector.shape_cast %reduce_sum3A_675 : vector<512xf32> to vector<1x512xf32>
    %sub3A_677 = arith.constant 5.120000e+02 : f32
    %sub3A_678 = vector.broadcast %sub3A_677 : f32 to vector<1x512xf32>
    %sub3A_679 = arith.subf %sub3A_678, %broadcast_in_dim3A_676 : vector<1x512xf32>
    %add3A_680 = arith.addf %add3A_641, %sub3A_679 : vector<1x512xf32>
    %slice3A_681 = vector.extract_strided_slice %get3A_1 {offsets = [3584, 0], sizes = [512, 1], strides = [1, 1]} : vector<4096x1xf32> to vector<512x1xf32>
    %slice3A_682 = vector.extract_strided_slice %get3A_4 {offsets = [0, 3584], sizes = [1, 512], strides = [1, 1]} : vector<1x4096xf32> to vector<1x512xf32>
    %gt3A_683 = vector.broadcast %slice3A_682 : vector<1x512xf32> to vector<512x512xf32>
    %gt3A_684 = vector.broadcast %slice3A_681 : vector<512x1xf32> to vector<512x512xf32>
    %gt3A_685 = arith.cmpf ogt, %gt3A_683, %gt3A_684 : vector<512x512xf32>
    %eq3A_686 = vector.broadcast %slice3A_682 : vector<1x512xf32> to vector<512x512xf32>
    %eq3A_687 = vector.broadcast %slice3A_681 : vector<512x1xf32> to vector<512x512xf32>
    %eq3A_688 = arith.cmpf oeq, %eq3A_686, %eq3A_687 : vector<512x512xf32>
    %lt3A_689 = arith.cmpi slt, %iota3A_5, %iota3A : vector<512x512xi32>
    %and3A_690 = arith.andi %eq3A_688, %lt3A_689 : vector<512x512xi1>
    %or3A_691 = arith.ori %gt3A_685, %and3A_690 : vector<512x512xi1>
    %jit3A_692 = arith.constant 1.000000e+00 : f32
    %jit3A_693 = arith.constant 0.000000e+00 : f32
    %broadcast_in_dim3A_694 = vector.broadcast %jit3A_692 : f32 to vector<512x512xf32>
    %broadcast_in_dim3A_695 = vector.broadcast %jit3A_693 : f32 to vector<512x512xf32>
    %select_n3A_696 = arith.select %or3A_691, %broadcast_in_dim3A_694, %broadcast_in_dim3A_695 : vector<512x512xi1>, vector<512x512xf32>
    %reduce_sum3A_697 = arith.constant dense<0.000000e+00> : vector<512xf32>
    %reduce_sum3A_698 = vector.multi_reduction <add>, %select_n3A_696, %reduce_sum3A_697 [1] : vector<512x512xf32> to vector<512xf32>
    %broadcast_in_dim3A_699 = vector.shape_cast %reduce_sum3A_698 : vector<512xf32> to vector<512x1xf32>
    %jit3A_700 = arith.constant 0.000000e+00 : f32
    %broadcast_in_dim3A_701 = vector.shape_cast %add3A_140 : vector<512x1xf32> to vector<512x1xf32>
    %broadcast_in_dim3A_702 = vector.broadcast %broadcast_in_dim3A_701 : vector<512x1xf32> to vector<512x512xf32>
    %broadcast_in_dim3A_703 = vector.broadcast %jit3A_700 : f32 to vector<512x512xf32>
    %select_n3A_704 = arith.select %eq3A, %broadcast_in_dim3A_702, %broadcast_in_dim3A_703 : vector<512x512xi1>, vector<512x512xf32>
    %reduce_sum3A_705 = arith.constant dense<0.000000e+00> : vector<512xf32>
    %reduce_sum3A_706 = vector.multi_reduction <add>, %select_n3A_704, %reduce_sum3A_705 [0] : vector<512x512xf32> to vector<512xf32>
    %broadcast_in_dim3A_707 = vector.shape_cast %reduce_sum3A_706 : vector<512xf32> to vector<1x512xf32>
    %add3A_708 = arith.constant 0.000000e+00 : f32
    %add3A_709 = vector.broadcast %add3A_708 : f32 to vector<1x512xf32>
    %add3A_710 = arith.addf %broadcast_in_dim3A_707, %add3A_709 : vector<1x512xf32>
    %jit3A_711 = arith.constant 0.000000e+00 : f32
    %broadcast_in_dim3A_712 = vector.shape_cast %add3A_278 : vector<512x1xf32> to vector<512x1xf32>
    %broadcast_in_dim3A_713 = vector.broadcast %broadcast_in_dim3A_712 : vector<512x1xf32> to vector<512x512xf32>
    %broadcast_in_dim3A_714 = vector.broadcast %jit3A_711 : f32 to vector<512x512xf32>
    %select_n3A_715 = arith.select %eq3A, %broadcast_in_dim3A_713, %broadcast_in_dim3A_714 : vector<512x512xi1>, vector<512x512xf32>
    %reduce_sum3A_716 = arith.constant dense<0.000000e+00> : vector<512xf32>
    %reduce_sum3A_717 = vector.multi_reduction <add>, %select_n3A_715, %reduce_sum3A_716 [0] : vector<512x512xf32> to vector<512xf32>
    %broadcast_in_dim3A_718 = vector.shape_cast %reduce_sum3A_717 : vector<512xf32> to vector<1x512xf32>
    %add3A_719 = arith.addf %broadcast_in_dim3A_718, %sub3A_32 : vector<1x512xf32>
    %jit3A_720 = arith.constant 0.000000e+00 : f32
    %broadcast_in_dim3A_721 = vector.shape_cast %add3A_397 : vector<512x1xf32> to vector<512x1xf32>
    %broadcast_in_dim3A_722 = vector.broadcast %broadcast_in_dim3A_721 : vector<512x1xf32> to vector<512x512xf32>
    %broadcast_in_dim3A_723 = vector.broadcast %jit3A_720 : f32 to vector<512x512xf32>
    %select_n3A_724 = arith.select %eq3A, %broadcast_in_dim3A_722, %broadcast_in_dim3A_723 : vector<512x512xi1>, vector<512x512xf32>
    %reduce_sum3A_725 = arith.constant dense<0.000000e+00> : vector<512xf32>
    %reduce_sum3A_726 = vector.multi_reduction <add>, %select_n3A_724, %reduce_sum3A_725 [0] : vector<512x512xf32> to vector<512xf32>
    %broadcast_in_dim3A_727 = vector.shape_cast %reduce_sum3A_726 : vector<512xf32> to vector<1x512xf32>
    %add3A_728 = arith.addf %broadcast_in_dim3A_727, %add3A_185 : vector<1x512xf32>
    %jit3A_729 = arith.constant 0.000000e+00 : f32
    %broadcast_in_dim3A_730 = vector.shape_cast %add3A_496 : vector<512x1xf32> to vector<512x1xf32>
    %broadcast_in_dim3A_731 = vector.broadcast %broadcast_in_dim3A_730 : vector<512x1xf32> to vector<512x512xf32>
    %broadcast_in_dim3A_732 = vector.broadcast %jit3A_729 : f32 to vector<512x512xf32>
    %select_n3A_733 = arith.select %eq3A, %broadcast_in_dim3A_731, %broadcast_in_dim3A_732 : vector<512x512xi1>, vector<512x512xf32>
    %reduce_sum3A_734 = arith.constant dense<0.000000e+00> : vector<512xf32>
    %reduce_sum3A_735 = vector.multi_reduction <add>, %select_n3A_733, %reduce_sum3A_734 [0] : vector<512x512xf32> to vector<512xf32>
    %broadcast_in_dim3A_736 = vector.shape_cast %reduce_sum3A_735 : vector<512xf32> to vector<1x512xf32>
    %add3A_737 = arith.addf %broadcast_in_dim3A_736, %add3A_324 : vector<1x512xf32>
    %jit3A_738 = arith.constant 0.000000e+00 : f32
    %broadcast_in_dim3A_739 = vector.shape_cast %add3A_575 : vector<512x1xf32> to vector<512x1xf32>
    %broadcast_in_dim3A_740 = vector.broadcast %broadcast_in_dim3A_739 : vector<512x1xf32> to vector<512x512xf32>
    %broadcast_in_dim3A_741 = vector.broadcast %jit3A_738 : f32 to vector<512x512xf32>
    %select_n3A_742 = arith.select %eq3A, %broadcast_in_dim3A_740, %broadcast_in_dim3A_741 : vector<512x512xi1>, vector<512x512xf32>
    %reduce_sum3A_743 = arith.constant dense<0.000000e+00> : vector<512xf32>
    %reduce_sum3A_744 = vector.multi_reduction <add>, %select_n3A_742, %reduce_sum3A_743 [0] : vector<512x512xf32> to vector<512xf32>
    %broadcast_in_dim3A_745 = vector.shape_cast %reduce_sum3A_744 : vector<512xf32> to vector<1x512xf32>
    %add3A_746 = arith.addf %broadcast_in_dim3A_745, %add3A_443 : vector<1x512xf32>
    %jit3A_747 = arith.constant 0.000000e+00 : f32
    %broadcast_in_dim3A_748 = vector.shape_cast %add3A_634 : vector<512x1xf32> to vector<512x1xf32>
    %broadcast_in_dim3A_749 = vector.broadcast %broadcast_in_dim3A_748 : vector<512x1xf32> to vector<512x512xf32>
    %broadcast_in_dim3A_750 = vector.broadcast %jit3A_747 : f32 to vector<512x512xf32>
    %select_n3A_751 = arith.select %eq3A, %broadcast_in_dim3A_749, %broadcast_in_dim3A_750 : vector<512x512xi1>, vector<512x512xf32>
    %reduce_sum3A_752 = arith.constant dense<0.000000e+00> : vector<512xf32>
    %reduce_sum3A_753 = vector.multi_reduction <add>, %select_n3A_751, %reduce_sum3A_752 [0] : vector<512x512xf32> to vector<512xf32>
    %broadcast_in_dim3A_754 = vector.shape_cast %reduce_sum3A_753 : vector<512xf32> to vector<1x512xf32>
    %add3A_755 = arith.addf %broadcast_in_dim3A_754, %add3A_542 : vector<1x512xf32>
    %jit3A_756 = arith.constant 0.000000e+00 : f32
    %broadcast_in_dim3A_757 = vector.shape_cast %add3A_673 : vector<512x1xf32> to vector<512x1xf32>
    %broadcast_in_dim3A_758 = vector.broadcast %broadcast_in_dim3A_757 : vector<512x1xf32> to vector<512x512xf32>
    %broadcast_in_dim3A_759 = vector.broadcast %jit3A_756 : f32 to vector<512x512xf32>
    %select_n3A_760 = arith.select %eq3A, %broadcast_in_dim3A_758, %broadcast_in_dim3A_759 : vector<512x512xi1>, vector<512x512xf32>
    %reduce_sum3A_761 = arith.constant dense<0.000000e+00> : vector<512xf32>
    %reduce_sum3A_762 = vector.multi_reduction <add>, %select_n3A_760, %reduce_sum3A_761 [0] : vector<512x512xf32> to vector<512xf32>
    %broadcast_in_dim3A_763 = vector.shape_cast %reduce_sum3A_762 : vector<512xf32> to vector<1x512xf32>
    %add3A_764 = arith.addf %broadcast_in_dim3A_763, %add3A_621 : vector<1x512xf32>
    %jit3A_765 = arith.constant 0.000000e+00 : f32
    %broadcast_in_dim3A_766 = vector.shape_cast %broadcast_in_dim3A_699 : vector<512x1xf32> to vector<512x1xf32>
    %broadcast_in_dim3A_767 = vector.broadcast %broadcast_in_dim3A_766 : vector<512x1xf32> to vector<512x512xf32>
    %broadcast_in_dim3A_768 = vector.broadcast %jit3A_765 : f32 to vector<512x512xf32>
    %select_n3A_769 = arith.select %eq3A, %broadcast_in_dim3A_767, %broadcast_in_dim3A_768 : vector<512x512xi1>, vector<512x512xf32>
    %reduce_sum3A_770 = arith.constant dense<0.000000e+00> : vector<512xf32>
    %reduce_sum3A_771 = vector.multi_reduction <add>, %select_n3A_769, %reduce_sum3A_770 [0] : vector<512x512xf32> to vector<512xf32>
    %broadcast_in_dim3A_772 = vector.shape_cast %reduce_sum3A_771 : vector<512xf32> to vector<1x512xf32>
    %add3A_773 = arith.addf %broadcast_in_dim3A_772, %add3A_680 : vector<1x512xf32>
    %concatenate3A = tpu.concatenate %add3A_710, %add3A_719, %add3A_728, %add3A_737, %add3A_746, %add3A_755, %add3A_764, %add3A_773 in 1 : vector<1x512xf32>, vector<1x512xf32>, vector<1x512xf32>, vector<1x512xf32>, vector<1x512xf32>, vector<1x512xf32>, vector<1x512xf32>, vector<1x512xf32> -> vector<1x4096xf32>
    %iota3A_774 = tpu.iota {dimensions = array<i32: 1>} : vector<512x4096xi32>
    %convert_element_type3A = arith.sitofp %iota3A_774 : vector<512x4096xi32> to vector<512x4096xf32>
    %iota3A_775 = tpu.iota {dimensions = array<i32: 0>} : vector<512x4096xi32>
    %add3A_776 = arith.constant 0 : i32
    %add3A_777 = vector.broadcast %add3A_776 : i32 to vector<512x4096xi32>
    %add3A_778 = arith.addi %iota3A_775, %add3A_777 : vector<512x4096xi32>
    %convert_element_type3A_779 = arith.sitofp %add3A_778 : vector<512x4096xi32> to vector<512x4096xf32>
    %eq3A_780 = vector.broadcast %concatenate3A : vector<1x4096xf32> to vector<512x4096xf32>
    %eq3A_781 = arith.cmpf oeq, %eq3A_780, %convert_element_type3A_779 : vector<512x4096xf32>
    %jit3A_782 = arith.constant 0.000000e+00 : f32
    %broadcast_in_dim3A_783 = vector.broadcast %jit3A_782 : f32 to vector<512x4096xf32>
    %select_n3A_784 = arith.select %eq3A_781, %convert_element_type3A, %broadcast_in_dim3A_783 : vector<512x4096xi1>, vector<512x4096xf32>
    %reduce_sum3A_785 = arith.constant dense<0.000000e+00> : vector<512xf32>
    %reduce_sum3A_786 = vector.multi_reduction <add>, %select_n3A_784, %reduce_sum3A_785 [1] : vector<512x4096xf32> to vector<512xf32>
    %broadcast_in_dim3A_787 = vector.shape_cast %reduce_sum3A_786 : vector<512xf32> to vector<512x1xf32>
    %convert_element_type3A_788 = arith.fptosi %broadcast_in_dim3A_787 : vector<512x1xf32> to vector<512x1xi32>
    %swap3A = arith.constant 0 : index
    %swap3A_789 = arith.constant 0 : index
    %swap3A_790 = vector.load %arg2[%swap3A, %swap3A_789] : memref<2048x1xi32, #tpu.memory_space<vmem>>, vector<512x1xi32>
    tpu.vector_store %arg2[%swap3A, %swap3A_789], %convert_element_type3A_788 {strides = array<i32>} : memref<2048x1xi32, #tpu.memory_space<vmem>>, vector<512x1xi32>,
    %iota3A_791 = tpu.iota {dimensions = array<i32: 0>} : vector<512x4096xi32>
    %add3A_792 = arith.constant 512 : i32
    %add3A_793 = vector.broadcast %add3A_792 : i32 to vector<512x4096xi32>
    %add3A_794 = arith.addi %iota3A_791, %add3A_793 : vector<512x4096xi32>
    %convert_element_type3A_795 = arith.sitofp %add3A_794 : vector<512x4096xi32> to vector<512x4096xf32>
    %eq3A_796 = vector.broadcast %concatenate3A : vector<1x4096xf32> to vector<512x4096xf32>
    %eq3A_797 = arith.cmpf oeq, %eq3A_796, %convert_element_type3A_795 : vector<512x4096xf32>
    %jit3A_798 = arith.constant 0.000000e+00 : f32
    %broadcast_in_dim3A_799 = vector.broadcast %jit3A_798 : f32 to vector<512x4096xf32>
    %select_n3A_800 = arith.select %eq3A_797, %convert_element_type3A, %broadcast_in_dim3A_799 : vector<512x4096xi1>, vector<512x4096xf32>
    %reduce_sum3A_801 = arith.constant dense<0.000000e+00> : vector<512xf32>
    %reduce_sum3A_802 = vector.multi_reduction <add>, %select_n3A_800, %reduce_sum3A_801 [1] : vector<512x4096xf32> to vector<512xf32>
    %broadcast_in_dim3A_803 = vector.shape_cast %reduce_sum3A_802 : vector<512xf32> to vector<512x1xf32>
    %convert_element_type3A_804 = arith.fptosi %broadcast_in_dim3A_803 : vector<512x1xf32> to vector<512x1xi32>
    %swap3A_805 = arith.constant 512 : index
    %swap3A_806 = arith.constant 0 : index
    %swap3A_807 = vector.load %arg2[%swap3A_805, %swap3A_806] : memref<2048x1xi32, #tpu.memory_space<vmem>>, vector<512x1xi32>
    tpu.vector_store %arg2[%swap3A_805, %swap3A_806], %convert_element_type3A_804 {strides = array<i32>} : memref<2048x1xi32, #tpu.memory_space<vmem>>, vector<512x1xi32>,
    %iota3A_808 = tpu.iota {dimensions = array<i32: 0>} : vector<512x4096xi32>
    %add3A_809 = arith.constant 1024 : i32
    %add3A_810 = vector.broadcast %add3A_809 : i32 to vector<512x4096xi32>
    %add3A_811 = arith.addi %iota3A_808, %add3A_810 : vector<512x4096xi32>
    %convert_element_type3A_812 = arith.sitofp %add3A_811 : vector<512x4096xi32> to vector<512x4096xf32>
    %eq3A_813 = vector.broadcast %concatenate3A : vector<1x4096xf32> to vector<512x4096xf32>
    %eq3A_814 = arith.cmpf oeq, %eq3A_813, %convert_element_type3A_812 : vector<512x4096xf32>
    %jit3A_815 = arith.constant 0.000000e+00 : f32
    %broadcast_in_dim3A_816 = vector.broadcast %jit3A_815 : f32 to vector<512x4096xf32>
    %select_n3A_817 = arith.select %eq3A_814, %convert_element_type3A, %broadcast_in_dim3A_816 : vector<512x4096xi1>, vector<512x4096xf32>
    %reduce_sum3A_818 = arith.constant dense<0.000000e+00> : vector<512xf32>
    %reduce_sum3A_819 = vector.multi_reduction <add>, %select_n3A_817, %reduce_sum3A_818 [1] : vector<512x4096xf32> to vector<512xf32>
    %broadcast_in_dim3A_820 = vector.shape_cast %reduce_sum3A_819 : vector<512xf32> to vector<512x1xf32>
    %convert_element_type3A_821 = arith.fptosi %broadcast_in_dim3A_820 : vector<512x1xf32> to vector<512x1xi32>
    %swap3A_822 = arith.constant 1024 : index
    %swap3A_823 = arith.constant 0 : index
    %swap3A_824 = vector.load %arg2[%swap3A_822, %swap3A_823] : memref<2048x1xi32, #tpu.memory_space<vmem>>, vector<512x1xi32>
    tpu.vector_store %arg2[%swap3A_822, %swap3A_823], %convert_element_type3A_821 {strides = array<i32>} : memref<2048x1xi32, #tpu.memory_space<vmem>>, vector<512x1xi32>,
    %iota3A_825 = tpu.iota {dimensions = array<i32: 0>} : vector<512x4096xi32>
    %add3A_826 = arith.constant 1536 : i32
    %add3A_827 = vector.broadcast %add3A_826 : i32 to vector<512x4096xi32>
    %add3A_828 = arith.addi %iota3A_825, %add3A_827 : vector<512x4096xi32>
    %convert_element_type3A_829 = arith.sitofp %add3A_828 : vector<512x4096xi32> to vector<512x4096xf32>
    %eq3A_830 = vector.broadcast %concatenate3A : vector<1x4096xf32> to vector<512x4096xf32>
    %eq3A_831 = arith.cmpf oeq, %eq3A_830, %convert_element_type3A_829 : vector<512x4096xf32>
    %jit3A_832 = arith.constant 0.000000e+00 : f32
    %broadcast_in_dim3A_833 = vector.broadcast %jit3A_832 : f32 to vector<512x4096xf32>
    %select_n3A_834 = arith.select %eq3A_831, %convert_element_type3A, %broadcast_in_dim3A_833 : vector<512x4096xi1>, vector<512x4096xf32>
    %reduce_sum3A_835 = arith.constant dense<0.000000e+00> : vector<512xf32>
    %reduce_sum3A_836 = vector.multi_reduction <add>, %select_n3A_834, %reduce_sum3A_835 [1] : vector<512x4096xf32> to vector<512xf32>
    %broadcast_in_dim3A_837 = vector.shape_cast %reduce_sum3A_836 : vector<512xf32> to vector<512x1xf32>
    %convert_element_type3A_838 = arith.fptosi %broadcast_in_dim3A_837 : vector<512x1xf32> to vector<512x1xi32>
    %swap3A_839 = arith.constant 1536 : index
    %swap3A_840 = arith.constant 0 : index
    %swap3A_841 = vector.load %arg2[%swap3A_839, %swap3A_840] : memref<2048x1xi32, #tpu.memory_space<vmem>>, vector<512x1xi32>
    tpu.vector_store %arg2[%swap3A_839, %swap3A_840], %convert_element_type3A_838 {strides = array<i32>} : memref<2048x1xi32, #tpu.memory_space<vmem>>, vector<512x1xi32>,
    return
  }
}

module attributes {stable_mosaic.version = 14 : i64} {
  func.func @_quant_fused_body(%arg0: i32, %arg1: memref<256x2048xf32, #tpu.memory_space<vmem>>, %arg2: memref<2048x512xf32, #tpu.memory_space<vmem>>, %arg3: memref<1x512xf32, #tpu.memory_space<vmem>>, %arg4: memref<512x8xf32, #tpu.memory_space<vmem>>, %arg5: memref<1x8xf32, #tpu.memory_space<vmem>>, %arg6: memref<256x2048xf32, #tpu.memory_space<vmem>>, %arg7: memref<2048x2048xf32, #tpu.memory_space<vmem>>, %arg8: memref<1x2048xf32, #tpu.memory_space<vmem>>, %arg9: memref<1x2048xf32, #tpu.memory_space<vmem>>) attributes {dimension_semantics = [#tpu.dimension_semantics<arbitrary>], iteration_bounds = array<i64: 16>, scalar_prefetch = 0 : i64, scratch_operands = 3 : i64, tpu.core_type = #tpu.core_type<tc>, window_params = [{transform_indices = @transform_0, window_bounds = array<i64: 256, 2048>}, {pipeline_mode = #tpu.pipeline_mode<synchronous>, transform_indices = @transform_1, window_bounds = array<i64: 2048, 512>}, {pipeline_mode = #tpu.pipeline_mode<synchronous>, transform_indices = @transform_2, window_bounds = array<i64: 1, 512>}, {pipeline_mode = #tpu.pipeline_mode<synchronous>, transform_indices = @transform_3, window_bounds = array<i64: 512, 8>}, {pipeline_mode = #tpu.pipeline_mode<synchronous>, transform_indices = @transform_4, window_bounds = array<i64: 1, 8>}, {transform_indices = @transform_5, window_bounds = array<i64: 256, 2048>}]} {
    %lt3A = arith.constant 8 : i32
    %lt3A_0 = arith.cmpi slt, %arg0, %lt3A : i32
    %convert_element_type3A = arith.extui %lt3A_0 : i1 to i32
    %cond3A = arith.constant 0 : i32
    %cond3A_1 = arith.cmpi ne, %convert_element_type3A, %cond3A : i32
    scf.if %cond3A_1 {
      %get3A = arith.constant 0 : index
      %get3A_10 = arith.constant 0 : index
      %get3A_11 = vector.load %arg1[%get3A, %get3A_10] : memref<256x2048xf32, #tpu.memory_space<vmem>>, vector<256x2048xf32>
      %mul3A = arith.constant 256 : i32
      %mul3A_12 = arith.muli %arg0, %mul3A : i32
      %swap3A = arith.index_cast %mul3A_12 : i32 to index
      %swap3A_13 = arith.constant 0 : index
      %swap3A_14 = vector.load %arg7[%swap3A, %swap3A_13] : memref<2048x2048xf32, #tpu.memory_space<vmem>>, vector<256x2048xf32>
      tpu.vector_store %arg7[%swap3A, %swap3A_13], %get3A_11 {strides = array<i32>} : memref<2048x2048xf32, #tpu.memory_space<vmem>>, vector<256x2048xf32>,
      %reduce_sum3A = arith.constant dense<0.000000e+00> : vector<2048xf32>
      %reduce_sum3A_15 = vector.multi_reduction <add>, %get3A_11, %reduce_sum3A [0] : vector<256x2048xf32> to vector<2048xf32>
      %broadcast_in_dim3A = vector.shape_cast %reduce_sum3A_15 : vector<2048xf32> to vector<1x2048xf32>
      %abs3A = math.absf %get3A_11 : vector<256x2048xf32>
      %reduce_max3A = arith.constant dense<0xFF800000> : vector<2048xf32>
      %reduce_max3A_16 = vector.multi_reduction <maximumf>, %abs3A, %reduce_max3A [0] : vector<256x2048xf32> to vector<2048xf32>
      %broadcast_in_dim3A_17 = vector.shape_cast %reduce_max3A_16 : vector<2048xf32> to vector<1x2048xf32>
      %eq3A_18 = arith.constant 0 : i32
      %eq3A_19 = arith.cmpi eq, %arg0, %eq3A_18 : i32
      %convert_element_type3A_20 = arith.extui %eq3A_19 : i1 to i32
      %cond3A_21 = arith.constant 0 : i32
      %cond3A_22 = arith.cmpi ne, %convert_element_type3A_20, %cond3A_21 : i32
      scf.if %cond3A_22 {
        %swap3A_27 = arith.constant 0 : index
        %swap3A_28 = arith.constant 0 : index
        %swap3A_29 = vector.load %arg8[%swap3A_27, %swap3A_28] : memref<1x2048xf32, #tpu.memory_space<vmem>>, vector<1x2048xf32>
        tpu.vector_store %arg8[%swap3A_27, %swap3A_28], %broadcast_in_dim3A {strides = array<i32>} : memref<1x2048xf32, #tpu.memory_space<vmem>>, vector<1x2048xf32>,
        %swap3A_30 = arith.constant 0 : index
        %swap3A_31 = arith.constant 0 : index
        %swap3A_32 = vector.load %arg9[%swap3A_30, %swap3A_31] : memref<1x2048xf32, #tpu.memory_space<vmem>>, vector<1x2048xf32>
        tpu.vector_store %arg9[%swap3A_30, %swap3A_31], %broadcast_in_dim3A_17 {strides = array<i32>} : memref<1x2048xf32, #tpu.memory_space<vmem>>, vector<1x2048xf32>,
      } else {
      }
      %gt3A = arith.constant 0 : i32
      %gt3A_23 = arith.cmpi sgt, %arg0, %gt3A : i32
      %convert_element_type3A_24 = arith.extui %gt3A_23 : i1 to i32
      %cond3A_25 = arith.constant 0 : i32
      %cond3A_26 = arith.cmpi ne, %convert_element_type3A_24, %cond3A_25 : i32
      scf.if %cond3A_26 {
        %get3A_27 = arith.constant 0 : index
        %get3A_28 = arith.constant 0 : index
        %get3A_29 = vector.load %arg8[%get3A_27, %get3A_28] : memref<1x2048xf32, #tpu.memory_space<vmem>>, vector<1x2048xf32>
        %add3A = arith.addf %get3A_29, %broadcast_in_dim3A : vector<1x2048xf32>
        %swap3A_30 = arith.constant 0 : index
        %swap3A_31 = arith.constant 0 : index
        %swap3A_32 = vector.load %arg8[%swap3A_30, %swap3A_31] : memref<1x2048xf32, #tpu.memory_space<vmem>>, vector<1x2048xf32>
        tpu.vector_store %arg8[%swap3A_30, %swap3A_31], %add3A {strides = array<i32>} : memref<1x2048xf32, #tpu.memory_space<vmem>>, vector<1x2048xf32>,
        %get3A_33 = arith.constant 0 : index
        %get3A_34 = arith.constant 0 : index
        %get3A_35 = vector.load %arg9[%get3A_33, %get3A_34] : memref<1x2048xf32, #tpu.memory_space<vmem>>, vector<1x2048xf32>
        %max3A = arith.maximumf %get3A_35, %broadcast_in_dim3A_17 : vector<1x2048xf32>
        %swap3A_36 = arith.constant 0 : index
        %swap3A_37 = arith.constant 0 : index
        %swap3A_38 = vector.load %arg9[%swap3A_36, %swap3A_37] : memref<1x2048xf32, #tpu.memory_space<vmem>>, vector<1x2048xf32>
        tpu.vector_store %arg9[%swap3A_36, %swap3A_37], %max3A {strides = array<i32>} : memref<1x2048xf32, #tpu.memory_space<vmem>>, vector<1x2048xf32>,
      } else {
      }
    } else {
    }
    %eq3A = arith.constant 7 : i32
    %eq3A_2 = arith.cmpi eq, %arg0, %eq3A : i32
    %convert_element_type3A_3 = arith.extui %eq3A_2 : i1 to i32
    %cond3A_4 = arith.constant 0 : i32
    %cond3A_5 = arith.cmpi ne, %convert_element_type3A_3, %cond3A_4 : i32
    scf.if %cond3A_5 {
      %get3A = arith.constant 0 : index
      %get3A_10 = arith.constant 0 : index
      %get3A_11 = vector.load %arg8[%get3A, %get3A_10] : memref<1x2048xf32, #tpu.memory_space<vmem>>, vector<1x2048xf32>
      %mul3A = arith.constant 4.8828125E-4 : f32
      %mul3A_12 = vector.broadcast %mul3A : f32 to vector<1x2048xf32>
      %mul3A_13 = arith.mulf %get3A_11, %mul3A_12 : vector<1x2048xf32>
      %get3A_14 = arith.constant 0 : index
      %get3A_15 = arith.constant 0 : index
      %get3A_16 = vector.load %arg2[%get3A_14, %get3A_15] : memref<2048x512xf32, #tpu.memory_space<vmem>>, vector<2048x512xf32>
      %dot_general3A = arith.constant dense<0.000000e+00> : vector<1x512xf32>
      %dot_general3A_17 = tpu.matmul %mul3A_13, %get3A_16, %dot_general3A {dimension_numbers = #tpu.dot_dimension_numbers<[1], [0], [0], [1], [0, 0, 1, 1], [], []>, transpose_lhs_hint = false} : vector<1x2048xf32>, vector<2048x512xf32>, vector<1x512xf32> -> vector<1x512xf32>
      %get3A_18 = arith.constant 0 : index
      %get3A_19 = arith.constant 0 : index
      %get3A_20 = vector.load %arg3[%get3A_18, %get3A_19] : memref<1x512xf32, #tpu.memory_space<vmem>>, vector<1x512xf32>
      %add3A = arith.addf %dot_general3A_17, %get3A_20 : vector<1x512xf32>
      %max3A = arith.constant 0.000000e+00 : f32
      %max3A_21 = vector.broadcast %max3A : f32 to vector<1x512xf32>
      %max3A_22 = arith.maximumf %add3A, %max3A_21 : vector<1x512xf32>
      %get3A_23 = arith.constant 0 : index
      %get3A_24 = arith.constant 0 : index
      %get3A_25 = vector.load %arg4[%get3A_23, %get3A_24] : memref<512x8xf32, #tpu.memory_space<vmem>>, vector<512x8xf32>
      %dot_general3A_26 = arith.constant dense<0.000000e+00> : vector<1x8xf32>
      %dot_general3A_27 = tpu.matmul %max3A_22, %get3A_25, %dot_general3A_26 {dimension_numbers = #tpu.dot_dimension_numbers<[1], [0], [0], [1], [0, 0, 1, 1], [], []>, transpose_lhs_hint = false} : vector<1x512xf32>, vector<512x8xf32>, vector<1x8xf32> -> vector<1x8xf32>
      %get3A_28 = arith.constant 0 : index
      %get3A_29 = arith.constant 0 : index
      %get3A_30 = vector.load %arg5[%get3A_28, %get3A_29] : memref<1x8xf32, #tpu.memory_space<vmem>>, vector<1x8xf32>
      %add3A_31 = arith.addf %dot_general3A_27, %get3A_30 : vector<1x8xf32>
      %reduce_max3A = arith.constant dense<0xFF800000> : vector<1xf32>
      %reduce_max3A_32 = vector.multi_reduction <maximumf>, %add3A_31, %reduce_max3A [1] : vector<1x8xf32> to vector<1xf32>
      %broadcast_in_dim3A = vector.shape_cast %reduce_max3A_32 : vector<1xf32> to vector<1x1xf32>
      %sub3A = vector.broadcast %broadcast_in_dim3A : vector<1x1xf32> to vector<1x8xf32>
      %sub3A_33 = arith.subf %add3A_31, %sub3A : vector<1x8xf32>
      %exp3A = math.exp %sub3A_33 : vector<1x8xf32>
      %reduce_sum3A = arith.constant dense<0.000000e+00> : vector<1xf32>
      %reduce_sum3A_34 = vector.multi_reduction <add>, %exp3A, %reduce_sum3A [1] : vector<1x8xf32> to vector<1xf32>
      %broadcast_in_dim3A_35 = vector.shape_cast %reduce_sum3A_34 : vector<1xf32> to vector<1x1xf32>
      %div3A = vector.broadcast %broadcast_in_dim3A_35 : vector<1x1xf32> to vector<1x8xf32>
      %div3A_36 = arith.divf %exp3A, %div3A : vector<1x8xf32>
      %iota3A = tpu.iota {dimensions = array<i32: 1>} : vector<1x8xi32>
      %reduce_max3A_37 = arith.constant dense<0xFF800000> : vector<1xf32>
      %reduce_max3A_38 = vector.multi_reduction <maximumf>, %div3A_36, %reduce_max3A_37 [1] : vector<1x8xf32> to vector<1xf32>
      %broadcast_in_dim3A_39 = vector.shape_cast %reduce_max3A_38 : vector<1xf32> to vector<1x1xf32>
      %eq3A_40 = vector.broadcast %broadcast_in_dim3A_39 : vector<1x1xf32> to vector<1x8xf32>
      %eq3A_41 = arith.cmpf oeq, %div3A_36, %eq3A_40 : vector<1x8xf32>
      %jit3A = arith.constant 8 : i32
      %broadcast_in_dim3A_42 = vector.broadcast %jit3A : i32 to vector<1x8xi32>
      %select_n3A = arith.select %eq3A_41, %iota3A, %broadcast_in_dim3A_42 : vector<1x8xi1>, vector<1x8xi32>
      %reduce_min3A = arith.constant dense<2147483647> : vector<1xi32>
      %reduce_min3A_43 = vector.multi_reduction <minsi>, %select_n3A, %reduce_min3A [1] : vector<1x8xi32> to vector<1xi32>
      %broadcast_in_dim3A_44 = vector.shape_cast %reduce_min3A_43 : vector<1xi32> to vector<1x1xi32>
      %add3A_45 = arith.constant 1 : i32
      %add3A_46 = vector.broadcast %add3A_45 : i32 to vector<1x1xi32>
      %add3A_47 = arith.addi %broadcast_in_dim3A_44, %add3A_46 : vector<1x1xi32>
      %shift_left3A = arith.constant 1 : i32
      %shift_left3A_48 = vector.broadcast %shift_left3A : i32 to vector<1x1xi32>
      %shift_left3A_49 = arith.shli %shift_left3A_48, %add3A_47 : vector<1x1xi32>
      %convert_element_type3A_50 = arith.sitofp %shift_left3A_49 : vector<1x1xi32> to vector<1x1xf32>
      %get3A_51 = arith.constant 0 : index
      %get3A_52 = arith.constant 0 : index
      %get3A_53 = vector.load %arg9[%get3A_51, %get3A_52] : memref<1x2048xf32, #tpu.memory_space<vmem>>, vector<1x2048xf32>
      %squeeze3A = vector.extract %convert_element_type3A_50[0, 0] : f32 from vector<1x1xf32>
      %div3A_54 = vector.broadcast %squeeze3A : f32 to vector<1x2048xf32>
      %div3A_55 = arith.divf %get3A_53, %div3A_54 : vector<1x2048xf32>
      %swap3A = arith.constant 0 : index
      %swap3A_56 = arith.constant 0 : index
      %swap3A_57 = vector.load %arg9[%swap3A, %swap3A_56] : memref<1x2048xf32, #tpu.memory_space<vmem>>, vector<1x2048xf32>
      tpu.vector_store %arg9[%swap3A, %swap3A_56], %div3A_55 {strides = array<i32>} : memref<1x2048xf32, #tpu.memory_space<vmem>>, vector<1x2048xf32>,
    } else {
    }
    %ge3A = arith.constant 8 : i32
    %ge3A_6 = arith.cmpi sge, %arg0, %ge3A : i32
    %convert_element_type3A_7 = arith.extui %ge3A_6 : i1 to i32
    %cond3A_8 = arith.constant 0 : i32
    %cond3A_9 = arith.cmpi ne, %convert_element_type3A_7, %cond3A_8 : i32
    scf.if %cond3A_9 {
      %sub3A = arith.constant 8 : i32
      %sub3A_10 = arith.subi %arg0, %sub3A : i32
      %get3A = arith.constant 0 : index
      %get3A_11 = arith.constant 0 : index
      %get3A_12 = vector.load %arg9[%get3A, %get3A_11] : memref<1x2048xf32, #tpu.memory_space<vmem>>, vector<1x2048xf32>
      %mul3A = arith.constant 256 : i32
      %mul3A_13 = arith.muli %sub3A_10, %mul3A : i32
      %get3A_14 = arith.index_cast %mul3A_13 : i32 to index
      %get3A_15 = arith.constant 0 : index
      %get3A_16 = vector.load %arg7[%get3A_14, %get3A_15] : memref<2048x2048xf32, #tpu.memory_space<vmem>>, vector<256x2048xf32>
      %div3A = vector.broadcast %get3A_12 : vector<1x2048xf32> to vector<256x2048xf32>
      %div3A_17 = arith.divf %get3A_16, %div3A : vector<256x2048xf32>
      %round3A = math.roundeven %div3A_17 : vector<256x2048xf32>
      %mul3A_18 = vector.broadcast %get3A_12 : vector<1x2048xf32> to vector<256x2048xf32>
      %mul3A_19 = arith.mulf %round3A, %mul3A_18 : vector<256x2048xf32>
      %swap3A = arith.constant 0 : index
      %swap3A_20 = arith.constant 0 : index
      %swap3A_21 = vector.load %arg6[%swap3A, %swap3A_20] : memref<256x2048xf32, #tpu.memory_space<vmem>>, vector<256x2048xf32>
      tpu.vector_store %arg6[%swap3A, %swap3A_20], %mul3A_19 {strides = array<i32>} : memref<256x2048xf32, #tpu.memory_space<vmem>>, vector<256x2048xf32>,
    } else {
    }
    return
  }
  func.func @transform_0(%arg0: i32) -> (i32, i32) {
    %min3A = arith.constant 7 : i32
    %min3A_0 = arith.minsi %arg0, %min3A : i32
    %c0_i32 = arith.constant 0 : i32
    %c0_i32_1 = arith.constant 0 : i32
    return %min3A_0, %c0_i32 : i32, i32
  }
  func.func @transform_1(%arg0: i32) -> (i32, i32) {
    %c0_i32 = arith.constant 0 : i32
    %c0_i32_0 = arith.constant 0 : i32
    %c0_i32_1 = arith.constant 0 : i32
    return %c0_i32, %c0_i32_0 : i32, i32
  }
  func.func @transform_2(%arg0: i32) -> (i32, i32) {
    %c0_i32 = arith.constant 0 : i32
    %c0_i32_0 = arith.constant 0 : i32
    %c0_i32_1 = arith.constant 0 : i32
    return %c0_i32, %c0_i32_0 : i32, i32
  }
  func.func @transform_3(%arg0: i32) -> (i32, i32) {
    %c0_i32 = arith.constant 0 : i32
    %c0_i32_0 = arith.constant 0 : i32
    %c0_i32_1 = arith.constant 0 : i32
    return %c0_i32, %c0_i32_0 : i32, i32
  }
  func.func @transform_4(%arg0: i32) -> (i32, i32) {
    %c0_i32 = arith.constant 0 : i32
    %c0_i32_0 = arith.constant 0 : i32
    %c0_i32_1 = arith.constant 0 : i32
    return %c0_i32, %c0_i32_0 : i32, i32
  }
  func.func @transform_5(%arg0: i32) -> (i32, i32) {
    %sub3A = arith.constant 8 : i32
    %sub3A_0 = arith.subi %arg0, %sub3A : i32
    %max3A = arith.constant 0 : i32
    %max3A_1 = arith.maxsi %sub3A_0, %max3A : i32
    %c0_i32 = arith.constant 0 : i32
    %c0_i32_2 = arith.constant 0 : i32
    return %max3A_1, %c0_i32 : i32, i32
  }
}

</mosaic_0001>

<sc_bundles>
// kernel: kernel.5.cloned.1.call-start
scs
__scs_entry_jumppad:
0x0: {  	(pc) =	sbr.rel $0x88, $3  }
0x1: {  	(tag) =	ssettag $0x0;
	lr =	simm.s32 $0x1  }
0x2: {  	[smem:$0x3F96] =	sst lr;
	_ =	strace $0xD0000000  }
0x3: {  	_ = 	snop  }
0x4: {  	_ = 	snop  }
0x5: {  	_ = 	snop  }
0x6: {  	_ = 	snop  }
0x7: {  	_ = 	snop  }
__scs_overlays_trampoline_lowered:
0x8: {  	[smem:$0x3FA5] =	sst s0  }
0x9: {  	[smem:$0x3FA6] =	sst s1  }
0xa: {  	[smem:$0x3FA7] =	sst s2  }
0xb: {  	[smem:$0x3FA8] =	sst s3  }
0xc: {  	[smem:$0x3FA9] =	sst s4  }
0xd: {  	[smem:$0x3FAA] =	sst s5  }
0xe: {  	[smem:$0x3FAB] =	sst s6  }
0xf: {  	[smem:$0x3FAC] =	sst s7  }
0x10: {  	[smem:$0x3FAD] =	sst s8  }
0x11: {  	[smem:$0x3FAE] =	sst s9;
	s0 =	simm.s32 @!p0 $0x0  }
0x12: {  	s1 =	sld [smem:$0x3F94];
	s0 =	simm.s32 @p0 $0x1  }
0x13: {  	[smem:$0x3FAF] =	sst s0;
	s0 =	simm.s32 @!p1 $0x0  }
0x14: {  	s2 =	sld [smem:$0x3F93];
	s0 =	simm.s32 @p1 $0x1  }
0x15: {  	[smem:$0x3FB0] =	sst s0;
	s0 =	simm.s32 @!p2 $0x0  }
0x16: {  	s3 =	sld [smem:$0x3FDB];
	s0 =	simm.s32 @p2 $0x1  }
0x17: {  	s4 =	simm.s32 $0x1BF5;
	[smem:$0x3FB2] =	sst s0  }
0x18: {  	s0 =	sld [smem:$0x3F95];
	_ =	swait.ge [sflag:s4], $0x0  }
0x19: {  	s7 =	sld [smem:$0x3F96]  }
0x1a: {  	s8 =	sadd.s32 $0xFFFFE003, lr  }
0x1b: {  	s9 =	sadd.s32 $0xFFFFFEF7, lr;
	s5 =	simm.s32 $0xFFFFFFFF;
	p2 =	slt.u32 s8, $0xFFFFF086  }
0x1c: {  	p1 =	slt.u32 s9, $0xF7A;
	s5 =	simm.s32 @!p2 $0x0  }
0x1d: {  	s5 =	simm.s32 @p1 $0x1;
	p0 =	seq.s32 s7, s2  }
0x1e: {  	s7 =	smul.u32 @!p0 $0xF7A, s2;
	p2 =	seq.s32 @!p0 s5, $0x0  }
0x1f: {  	s9 =	smul.u32 $0xF7A, s1;
	s8 =	simm.s32 @!p0 $0x1BF5;
	p2 =	por !p2, p0  }
0x20: {  	[sflag:s8] =	ssyncset.s32 @!p0 $0xFFFFF086;
	s6 =	sadd.s32 @!p0 s3, s7;
	s7 =	simm.s32 @!p0 $0x108  }
0x21: {  	s3 =	sadd.s32 s3, s9;
	s6 =	sadd.s32 @!p0 $0x88, s6;
	s7 =	simm.s32 @p2 $0x1082  }
0x22: {  	[simem:s7], [sflag:s8] =	dma.local @!p0 [hbm:s6], $0xF7A  }
0x23: {  	s9 =	sor.u32 $0xD0000000, s2;
	s6 =	simm.s32 $0x108;
	_ =	swait.ge @!p0 [sflag:s8], $0x0  }
0x24: {  	s3 =	sadd.s32 $0x88, s3;
	s6 =	simm.s32 @!p1 $0x1082;
	[sflag:s4] =	ssyncset.s32 $0xFFFFF086  }
0x25: {  	[simem:s6], [sflag:s4] =	dma.local [hbm:s3], $0xF7A  }
0x26: {  	[smem:$0x3F96] =	sst s1;
	(tag) =	ssettag s2;
	_ =	strace s9  }
0x27: {  	s1 =	sld [smem:$0x3FA6]  }
0x28: {  	s2 =	sld [smem:$0x3FA7]  }
0x29: {  	s4 =	sld [smem:$0x3FA9]  }
0x2a: {  	p0 =	seq.s32 s5, $0x0;
	s5 =	sld [smem:$0x3FAA]  }
0x2b: {  	s6 =	sld [smem:$0x3FAB]  }
0x2c: {  	s7 =	sld [smem:$0x3FAC]  }
0x2d: {  	s3 =	simm.s32 $0x108;
	s8 =	sld [smem:$0x3FAD]  }
0x2e: {  	s3 =	simm.s32 @!p0 $0x1082;
	s9 =	sld [smem:$0x3FAE]  }
0x2f: {  	lr =	sadd.s32 s0, s3;
	s0 =	sld [smem:$0x3FA5]  }
0x30: {  	s3 =	sld [smem:$0x3FA8]  }
0x31: {  	[smem:$0x3FB1] =	sst s10  }
0x32: {  	s10 =	sld [smem:$0x3FAF];
	_ =	sdelay $0x3  }
0x33: {  	p0 =	seq.s32 s10, $0x1;
	s10 =	sld [smem:$0x3FB1];
	_ =	sdelay $0x3  }
0x34: {  	[smem:$0x3FB1] =	sst s10  }
0x35: {  	s10 =	sld [smem:$0x3FB0];
	_ =	sdelay $0x3  }
0x36: {  	p1 =	seq.s32 s10, $0x1;
	s10 =	sld [smem:$0x3FB1];
	_ =	sdelay $0x3  }
0x37: {  	[smem:$0x3FB1] =	sst s10  }
0x38: {  	s10 =	sld [smem:$0x3FB2]  }
0x39: {  	_ = 	snop;
	(pc) =	sbr.ind lr, $3  }
0x3a: {  	_ = 	snop  }
0x3b: {  	_ = 	snop  }
0x3c: {  	p2 =	seq.s32 s10, $0x1;
	s10 =	sld [smem:$0x3FB1]  }
0x3d: {  	_ =	shalt  }
0x3e: {  	_ =	shalt  }
0x3f: {  	_ =	shalt  }
0x40: {  	_ =	shalt  }
0x41: {  	_ =	shalt  }
0x42: {  	_ =	shalt  }
0x43: {  	_ =	shalt  }
0x44: {  	_ =	shalt  }
0x45: {  	_ =	shalt  }
0x46: {  	_ =	shalt  }
0x47: {  	_ =	shalt  }
0x48: {  	_ =	shalt  }
0x49: {  	_ =	shalt  }
0x4a: {  	_ =	shalt  }
0x4b: {  	_ =	shalt  }
0x4c: {  	_ =	shalt  }
0x4d: {  	_ =	shalt  }
0x4e: {  	_ =	shalt  }
0x4f: {  	_ =	shalt  }
0x50: {  	_ =	shalt  }
0x51: {  	_ =	shalt  }
0x52: {  	_ =	shalt  }
0x53: {  	_ =	shalt  }
0x54: {  	_ =	shalt  }
0x55: {  	_ =	shalt  }
0x56: {  	_ =	shalt  }
0x57: {  	_ =	shalt  }
0x58: {  	_ =	shalt  }
0x59: {  	_ =	shalt  }
0x5a: {  	_ =	shalt  }
0x5b: {  	_ =	shalt  }
0x5c: {  	_ =	shalt  }
0x5d: {  	_ =	shalt  }
0x5e: {  	_ =	shalt  }
0x5f: {  	_ =	shalt  }
0x60: {  	_ =	shalt  }
0x61: {  	_ =	shalt  }
0x62: {  	_ =	shalt  }
0x63: {  	_ =	shalt  }
0x64: {  	_ =	shalt  }
0x65: {  	_ =	shalt  }
0x66: {  	_ =	shalt  }
0x67: {  	_ =	shalt  }
0x68: {  	_ =	shalt  }
0x69: {  	_ =	shalt  }
0x6a: {  	_ =	shalt  }
0x6b: {  	_ =	shalt  }
0x6c: {  	_ =	shalt  }
0x6d: {  	_ =	shalt  }
0x6e: {  	_ =	shalt  }
0x6f: {  	_ =	shalt  }
0x70: {  	_ =	shalt  }
0x71: {  	_ =	shalt  }
0x72: {  	_ =	shalt  }
0x73: {  	_ =	shalt  }
0x74: {  	_ =	shalt  }
0x75: {  	_ =	shalt  }
0x76: {  	_ =	shalt  }
0x77: {  	_ =	shalt  }
0x78: {  	_ =	shalt  }
0x79: {  	_ =	shalt  }
0x7a: {  	_ =	shalt  }
0x7b: {  	_ =	shalt  }
0x7c: {  	_ =	shalt  }
0x7d: {  	_ =	shalt  }
0x7e: {  	_ =	shalt  }
0x7f: {  	_ =	shalt  }
0x80: {  	_ =	shalt  }
0x81: {  	_ =	shalt  }
0x82: {  	_ =	shalt  }
0x83: {  	_ =	shalt  }
0x84: {  	_ =	shalt  }
0x85: {  	_ =	shalt  }
0x86: {  	_ =	shalt  }
0x87: {  	_ =	shalt  }
.Lfunc_end0:
.L_simem_size_0:
called_computation_lowered:
.L_overlay_start_0:
0x88: {  	s2 =	sld [smem:$0x3FD9]  }
0x89: {  	s3 =	sld [smem:$0x3FFE];
	_ =	sdelay $0x1  }
0x8a: {  	s1 =	srdreg.scid  }
0x8b: {  	s0 =	sand.u32 $0x1, s1  }
0x8c: {  	s17 =	sshll.u32 s0, $0xA;
	s2 =	sadd.s32 s3, s2  }
0x8d: {  	s2 =	sadd.s32 s2, s17  }
0x8e: {  	[smem:$0x3FBD] =	sst s2  }
0x8f: {  	_ = 	snop  }
0x90: {  	s2 =	sld [smem:$0x3FC9]  }
0x91: {  	s18 =	sld [smem:$0x3FD0];
	(tm) =	ssettm $0x1  }
0x92: {  	s4 =	sld [smem:$0x3FFB];
	_ =	sdelay $0x3  }
0x93: {  	_ =	strace s4  }
0x94: {  	s4 =	sld [smem:$0x3FFC];
	_ =	sdelay $0x3  }
0x95: {  	_ =	strace s4  }
0x96: {  	s4 =	sld [smem:$0x3FFD];
	_ =	sdelay $0x3  }
0x97: {  	_ =	strace s4  }
0x98: {  	_ =	strace $0x8FFFFFFF  }
0x99: {  	s19 =	sld [smem:$0x3FDB];
	_ =	sdelay $0x1  }
0x9a: {  	s5 =	simm.s32 $_scs_section_size  }
0x9b: {  	s6 =	simm.s32 $_size__tile_overlayer_lowered;
	s7 =	simm.s32 $_tile_overlayer_lowered  }
0x9c: {  	s22 =	simm.s32 $0x1BFF;
	s21 =	sshll.u32 s7, $0x1;
	s4 =	sadd.s32 s5, s19  }
0x9d: {  	s8 =	simm.s32 $0x0;
	s20 =	sshll.u32 s6, $0x1;
	s6 =	sadd.s32 s21, s4  }
0x9e: {  	[timem:s8], [sflag:s22] =	dma.local [hbm:s6], s20  }
0x9f: {  	_ =	swait.ge [sflag:s22], s20  }
0xa0: {  	s5 =	ssub.s32 $0x0, s20;
	[sflag:s22] =	ssyncset.done $0x0  }
0xa1: {  	[sflag:s22] =	ssyncadd.s32 s5;
	_ =	sdelay $0x1  }
0xa2: {  	s23 =	simm.s32 $0x1B8B  }
0xa3: {  	_ =	swait.ge [sflag:s23], $0x1  }
0xa4: {  	[sflag:s23] =	ssyncset.done $0x0  }
0xa5: {  	s25 =	simm.s32 $0x1B8E;
	s24 =	sld [smem:$0x3FFE];
	[sflag:s23] =	ssyncadd.s32 $0xFFFFFFFF  }
0xa6: {  	s26 =	simm.s32 $execute0_lowered;
	[smem:$0x3FD2] =	sst s25  }
0xa7: {  	s6 =	sshll.u32 s26, $0x1;
	_ =	strace $0x80000046;
	[dreg:$0x1] =	wrdreg $0xFFFFFFFF  }
0xa8: {  	s28 =	simm.s32 $_size_execute0_lowered;
	s4 =	sadd.s32 s4, s6;
	[dreg:$0x0] =	wrdreg $0x0  }
0xa9: {  	s6 =	sshll.u32 s28, $0x1;
	[dreg:$0x2] =	wrdreg s4  }
0xaa: {  	[dreg:$0x3] =	wrdreg s6  }
0xab: {  	[dreg:$0x4] =	wrdreg $0xC0  }
0xac: {  	_ =	task [dreg:s8], $0x5FFFF  }
0xad: {  	[dreg:$0x1] =	wrdreg $0xFFFFFFFF  }
0xae: {  	[dreg:$0x0] =	wrdreg $0x60  }
0xaf: {  	[dreg:$0x2] =	wrdreg s2  }
0xb0: {  	[dreg:$0x3] =	wrdreg s24  }
0xb1: {  	[dreg:$0x4] =	wrdreg s18  }
0xb2: {  	[dreg:$0x5] =	wrdreg $0x9  }
0xb3: {  	_ =	task.clear_ibuf [dreg:s8], $0x6FFFF;
	_ =	strace $0x90000046  }
0xb4: {  	s29 =	simm.s32 $0x9;
	_ =	strace $0x80000048  }
0xb5: {  	_ =	swait.ge [sflag:s29], $0x1  }
0xb6: {  	[sflag:s29] =	ssyncadd.s32 $0xFFFFFFFF  }
0xb7: {  	_ =	strace $0x90000048  }
0xb8: {  	_ =	sfence  }
0xb9: {  	s30 =	sld [smem:$0x0];
	_ =	sdelay $0x2  }
0xba: {  	s31 =	sshll.u32 s1, $0xD;
	s1 =	sshrl.u32 s1, $0x2  }
0xbb: {  	s3 =	sand.u32 $0x4000, s31;
	s1 =	sadd.s32 s1, s30  }
0xbc: {  	s0 =	sor.u32 s3, s0;
	s1 =	sshll.u32 s1, $0x11  }
0xbd: {  	s0 =	sor.u32 s1, s0  }
0xbe: {  	s0 =	sadd.s32 $0x8F2B, s0  }
0xbf: {  	[sflag:s0] =	ssyncadd.remote.s32 $0x1  }
0xc0: {  	_ =	sfence.sel $0xFFFF  }
0xc1: {  	[dreg:$0x0] =	wrdreg $0xFFFFFFFF;
	(pc) =	sbr.abs _section_cstart, $3  }
0xc2: {  	[dreg:$0x1] =	wrdreg $0xFFFFFFFF  }
0xc3: {  	_ =	task.clear_ibuf [dreg:s8], $0x2FFFF;
	_ =	strace $0x9FFFFFFF  }
0xc4: {  	(tm) =	ssettm $0x7FFFFFFF  }
0xc5: {  	_ =	shalt  }
tec
execute0_lowered:
.L_overlay_start_1:
0x0: {  	(tag) =	ssettag $0x1  }
0x1: {  	s1 =	rddreg [dreg:$0x0]  }
0x2: {  	s0 =	rddreg [dreg:$0x1]  }
0x3: {  	s2 =	rddreg [dreg:$0x2]  }
0x4: {  	s3 =	srdreg.scid;
	s5 =	stileid.u32  }
0x5: {  	s29 =	simm.s32 $0x880;
	s30 =	simm.s32 $0x1080;
	s31 =	simm.s32 $0x1880  }
0x6: {  	s14 =	simm.s32 $0x3080;
	s15 =	simm.s32 $0x3880;
	s16 =	simm.s32 $0x4080  }
0x7: {  	s17 =	simm.s32 $0x4880;
	s18 =	simm.s32 $0x5080;
	s19 =	simm.s32 $0x5880  }
0x8: {  	s20 =	simm.s32 $0x6080;
	s21 =	simm.s32 $0x6880;
	s22 =	simm.s32 $0x7080  }
0x9: {  	s23 =	simm.s32 $0x7880;
	s24 =	simm.s32 $0x8080;
	s25 =	simm.s32 $0x8880  }
0xa: {  	s4 =	sand.u32 $0x1, s3;
	s3 =	simm.s32 $0x0;
	s5 =	sshll.u32 s5, $0x7  }
0xb: {  	s0 =	sadd.s32 $0xC00, s0;
	s7 =	sadd.s32 $0x400, s1;
	s8 =	sadd.s32 $0x500, s1  }
0xc: {  	s6 =	sshll.u32 s4, $0x6;
	[smem:$0x7FF] =	sst s3;
	s4 =	ssub.s32 $0x2, s4  }
0xd: {  	s9 =	sor.u32 s6, s5;
	_ =	strace $0x80000047;
	s26 =	sshrl.u32 s4, $0x1  }
0xe: {  	s6 =	sadd.s32 $0x300, s1;
	s5 =	sshrl.u32 s9, $0x3;
	s11 =	ssub.s32 s4, s26  }
0xf: {  	s4 =	sadd.s32 $0x100, s1;
	s10 =	sshll.u32 s9, $0x8;
	s12 =	sor.u32 $0x20, s9  }
0x10: {  	s9 =	sadd.s32 $0x600, s1;
	s26 =	simm.s32 $0x1;
	s5 =	sadd.s32 s0, s5  }
0x11: {  	s10 =	sadd.s32 s2, s10;
	s13 =	sshrl.u32 s12, $0x3;
	s12 =	sshll.u32 s12, $0x8  }
0x12: {  	s11 =	smax.u32 s11, $0x1;
	[dreg:$0x4] =	wrdreg s5;
	s5 =	sadd.s32 $0x200, s1  }
0x13: {  	v2 =	vlaneseq.u32;
	[dreg:$0x5] =	wrdreg s10;
	s0 =	sadd.s32 s0, s13;
	s10 =	sadd.s32 $0x700, s1  }
0x14: {  	vm0 =	vmmov $0xffff;
	v1 =	vshrl.u32 v2, $0x3;
	s28 =	sadd.s32 s2, s12;
	s12 =	simm.s32 $0x2;
	[dreg:$0x6] =	wrdreg s0  }
0x15: {  	v0 =	vand.u32 $0x7, v2;
	v2 =	vor.u32 $0x8, v2;
	v1 =	vmul.u32 $0x8, v1;
	s13 =	simm.s32 $0x9080;
	[dreg:$0x7] =	wrdreg s28;
	s0 =	simm.s32 $0x80  }
.LBB2_1:
0x16: {  	s28 =	rddreg [dreg:$0x4]  }
0x17: {  	[tilespmem:s3], [sflag:$0x2] =	stream.linear.gather [hbm4b:s28+s3], $0x20, $0x38;
	[tilespmem:$0x10080] =	vst v63  }
0x18: {  	_ =	swait.ge [sflag:s12], $0x20  }
0x19: {  	[sflag:s12] =	ssyncset.done $0x0  }
0x1a: {  	[sflag:s12] =	ssyncadd.s32 $0xFFFFFFE0  }
0x1b: {  	v3 =	vld [tilespmem:$0x0];
	_ =	sdelay $0x4  }
0x1c: {  	v4 =	vshll.u32 v3, $0x4  }
0x1d: {  	v3 =	vand.u32 $0x7, v3;
	v4 =	vand.u32 $0xFFFFFF80, v4  }
0x1e: {  	v3 =	vor.u32 v3, v4  }
0x1f: {  	v4 =	vperm.xlane v3, v0;
	_ =	sdelay $0x1  }
0x20: {  	v4 =	vadd.s32 v1, v4;
	_ =	sdelay $0x4  }
0x21: {  	[tilespmem:s0], [sflag:$0x1] =	stream.indirect_vreg.gather [hbm4b:s1+s3], $0x80, v4, vm0, $0xb8;
	[tilespmem:$0x10080] =	vst v63  }
0x22: {  	_ = 	snop  }
0x23: {  	[tilespmem:s29], [sflag:$0x1] =	stream.indirect_vreg.gather [hbm4b:s4+s3], $0x80, v4, vm0, $0xb8;
	[tilespmem:$0x10080] =	vst v63  }
0x24: {  	_ = 	snop  }
0x25: {  	[tilespmem:s30], [sflag:$0x1] =	stream.indirect_vreg.gather [hbm4b:s5+s3], $0x80, v4, vm0, $0xb8;
	[tilespmem:$0x10080] =	vst v63  }
0x26: {  	_ = 	snop  }
0x27: {  	[tilespmem:s31], [sflag:$0x1] =	stream.indirect_vreg.gather [hbm4b:s6+s3], $0x80, v4, vm0, $0xb8;
	[tilespmem:$0x10080] =	vst v63  }
0x28: {  	s2 =	simm.s32 $0x2080  }
0x29: {  	[tilespmem:s2], [sflag:$0x1] =	stream.indirect_vreg.gather [hbm4b:s7+s3], $0x80, v4, vm0, $0xb8;
	[tilespmem:$0x10080] =	vst v63  }
0x2a: {  	v3 =	vperm.xlane v3, v2;
	s2 =	simm.s32 $0x2880  }
0x2b: {  	[tilespmem:s2], [sflag:$0x1] =	stream.indirect_vreg.gather [hbm4b:s8+s3], $0x80, v4, vm0, $0xb8;
	[tilespmem:$0x10080] =	vst v63  }
0x2c: {  	v3 =	vadd.s32 v1, v3  }
0x2d: {  	[tilespmem:s14], [sflag:$0x1] =	stream.indirect_vreg.gather [hbm4b:s9+s3], $0x80, v4, vm0, $0xb8;
	[tilespmem:$0x10080] =	vst v63  }
0x2e: {  	_ = 	snop  }
0x2f: {  	[tilespmem:s15], [sflag:$0x1] =	stream.indirect_vreg.gather [hbm4b:s10+s3], $0x80, v4, vm0, $0xb8;
	[tilespmem:$0x10080] =	vst v63  }
0x30: {  	_ = 	snop  }
0x31: {  	[tilespmem:s16], [sflag:$0x1] =	stream.indirect_vreg.gather [hbm4b:s1+s3], $0x80, v3, vm0, $0xb8;
	[tilespmem:$0x10080] =	vst v63  }
0x32: {  	_ = 	snop  }
0x33: {  	[tilespmem:s17], [sflag:$0x1] =	stream.indirect_vreg.gather [hbm4b:s4+s3], $0x80, v3, vm0, $0xb8;
	[tilespmem:$0x10080] =	vst v63  }
0x34: {  	_ = 	snop  }
0x35: {  	[tilespmem:s18], [sflag:$0x1] =	stream.indirect_vreg.gather [hbm4b:s5+s3], $0x80, v3, vm0, $0xb8;
	[tilespmem:$0x10080] =	vst v63  }
0x36: {  	_ = 	snop  }
0x37: {  	[tilespmem:s19], [sflag:$0x1] =	stream.indirect_vreg.gather [hbm4b:s6+s3], $0x80, v3, vm0, $0xb8;
	[tilespmem:$0x10080] =	vst v63  }
0x38: {  	_ = 	snop  }
0x39: {  	[tilespmem:s20], [sflag:$0x1] =	stream.indirect_vreg.gather [hbm4b:s7+s3], $0x80, v3, vm0, $0xb8;
	[tilespmem:$0x10080] =	vst v63  }
0x3a: {  	_ = 	snop  }
0x3b: {  	[tilespmem:s21], [sflag:$0x1] =	stream.indirect_vreg.gather [hbm4b:s8+s3], $0x80, v3, vm0, $0xb8;
	[tilespmem:$0x10080] =	vst v63  }
0x3c: {  	_ = 	snop  }
0x3d: {  	[tilespmem:s22], [sflag:$0x1] =	stream.indirect_vreg.gather [hbm4b:s9+s3], $0x80, v3, vm0, $0xb8;
	[tilespmem:$0x10080] =	vst v63  }
0x3e: {  	_ = 	snop  }
0x3f: {  	[tilespmem:s23], [sflag:$0x1] =	stream.indirect_vreg.gather [hbm4b:s10+s3], $0x80, v3, vm0, $0xb8;
	[tilespmem:$0x10080] =	vst v63  }
0x40: {  	v3 =	vld [tilespmem:$0x10];
	_ =	sdelay $0x4  }
0x41: {  	v61 =	vshll.u32 v3, $0x4  }
0x42: {  	v3 =	vand.u32 $0x7, v3;
	v4 =	vand.u32 $0xFFFFFF80, v61  }
0x43: {  	v3 =	vor.u32 v3, v4  }
0x44: {  	v4 =	vperm.xlane v3, v0;
	_ =	sdelay $0x1  }
0x45: {  	v4 =	vadd.s32 v1, v4;
	_ =	sdelay $0x4  }
0x46: {  	[tilespmem:s24], [sflag:$0x1] =	stream.indirect_vreg.gather [hbm4b:s1+s3], $0x80, v4, vm0, $0xb8;
	[tilespmem:$0x10080] =	vst v63  }
0x47: {  	_ = 	snop  }
0x48: {  	[tilespmem:s25], [sflag:$0x1] =	stream.indirect_vreg.gather [hbm4b:s4+s3], $0x80, v4, vm0, $0xb8;
	[tilespmem:$0x10080] =	vst v63  }
0x49: {  	_ = 	snop  }
0x4a: {  	[tilespmem:s13], [sflag:$0x1] =	stream.indirect_vreg.gather [hbm4b:s5+s3], $0x80, v4, vm0, $0xb8;
	[tilespmem:$0x10080] =	vst v63  }
0x4b: {  	s28 =	simm.s32 $0x9880  }
0x4c: {  	[tilespmem:s28], [sflag:$0x1] =	stream.indirect_vreg.gather [hbm4b:s6+s3], $0x80, v4, vm0, $0xb8;
	[tilespmem:$0x10080] =	vst v63  }
0x4d: {  	s28 =	simm.s32 $0xA080  }
0x4e: {  	[tilespmem:s28], [sflag:$0x1] =	stream.indirect_vreg.gather [hbm4b:s7+s3], $0x80, v4, vm0, $0xb8;
	[tilespmem:$0x10080] =	vst v63  }
0x4f: {  	v3 =	vperm.xlane v3, v2;
	s28 =	simm.s32 $0xA880  }
0x50: {  	[tilespmem:s28], [sflag:$0x1] =	stream.indirect_vreg.gather [hbm4b:s8+s3], $0x80, v4, vm0, $0xb8;
	[tilespmem:$0x10080] =	vst v63  }
0x51: {  	v3 =	vadd.s32 v1, v3;
	s28 =	simm.s32 $0xB080  }
0x52: {  	[tilespmem:s28], [sflag:$0x1] =	stream.indirect_vreg.gather [hbm4b:s9+s3], $0x80, v4, vm0, $0xb8;
	[tilespmem:$0x10080] =	vst v63  }
0x53: {  	s28 =	simm.s32 $0xB880  }
0x54: {  	[tilespmem:s28], [sflag:$0x1] =	stream.indirect_vreg.gather [hbm4b:s10+s3], $0x80, v4, vm0, $0xb8;
	[tilespmem:$0x10080] =	vst v63  }
0x55: {  	s28 =	simm.s32 $0xC080  }
0x56: {  	[tilespmem:s28], [sflag:$0x1] =	stream.indirect_vreg.gather [hbm4b:s1+s3], $0x80, v3, vm0, $0xb8;
	[tilespmem:$0x10080] =	vst v63  }
0x57: {  	s28 =	simm.s32 $0xC880  }
0x58: {  	[tilespmem:s28], [sflag:$0x1] =	stream.indirect_vreg.gather [hbm4b:s4+s3], $0x80, v3, vm0, $0xb8;
	[tilespmem:$0x10080] =	vst v63  }
0x59: {  	s28 =	simm.s32 $0xD080  }
0x5a: {  	[tilespmem:s28], [sflag:$0x1] =	stream.indirect_vreg.gather [hbm4b:s5+s3], $0x80, v3, vm0, $0xb8;
	[tilespmem:$0x10080] =	vst v63  }
0x5b: {  	s28 =	simm.s32 $0xD880  }
0x5c: {  	[tilespmem:s28], [sflag:$0x1] =	stream.indirect_vreg.gather [hbm4b:s6+s3], $0x80, v3, vm0, $0xb8;
	[tilespmem:$0x10080] =	vst v63  }
0x5d: {  	s28 =	simm.s32 $0xE080  }
0x5e: {  	[tilespmem:s28], [sflag:$0x1] =	stream.indirect_vreg.gather [hbm4b:s7+s3], $0x80, v3, vm0, $0xb8;
	[tilespmem:$0x10080] =	vst v63  }
0x5f: {  	s28 =	simm.s32 $0xE880  }
0x60: {  	[tilespmem:s28], [sflag:$0x1] =	stream.indirect_vreg.gather [hbm4b:s8+s3], $0x80, v3, vm0, $0xb8;
	[tilespmem:$0x10080] =	vst v63  }
0x61: {  	s28 =	simm.s32 $0xF080  }
0x62: {  	[tilespmem:s28], [sflag:$0x1] =	stream.indirect_vreg.gather [hbm4b:s9+s3], $0x80, v3, vm0, $0xb8;
	[tilespmem:$0x10080] =	vst v63  }
0x63: {  	s28 =	simm.s32 $0xF880  }
0x64: {  	[tilespmem:s28], [sflag:$0x1] =	stream.indirect_vreg.gather [hbm4b:s10+s3], $0x80, v3, vm0, $0xb8;
	[tilespmem:$0x10080] =	vst v63  }
0x65: {  	_ =	swait.ge [sflag:s26], $0x10000  }
0x66: {  	[sflag:s26] =	ssyncset.done $0x0  }
0x67: {  	s28 =	rddreg [dreg:$0x5];
	[sflag:s26] =	ssyncadd.s32 $0xFFFF0000  }
0x68: {  	[hbm4b:s28+s3] =	stream.linear.scatter [tilespmem:s0], [sflag:$0x2], $0x10000, $0x38;
	[tilespmem:$0x10080] =	vst v63  }
0x69: {  	_ =	swait.ge [sflag:s12], $0x10000  }
0x6a: {  	[sflag:s12] =	ssyncset.done $0x0  }
0x6b: {  	s28 =	rddreg [dreg:$0x6];
	[sflag:s12] =	ssyncadd.s32 $0xFFFF0000  }
0x6c: {  	[tilespmem:s3], [sflag:$0x2] =	stream.linear.gather [hbm4b:s28+s3], $0x20, $0x38;
	[tilespmem:$0x10080] =	vst v63  }
0x6d: {  	_ =	swait.ge [sflag:s12], $0x20  }
0x6e: {  	[sflag:s12] =	ssyncset.done $0x0  }
0x6f: {  	[sflag:s12] =	ssyncadd.s32 $0xFFFFFFE0  }
0x70: {  	v3 =	vld [tilespmem:$0x0];
	_ =	sdelay $0x4  }
0x71: {  	v62 =	vshll.u32 v3, $0x4  }
0x72: {  	v3 =	vand.u32 $0x7, v3;
	v4 =	vand.u32 $0xFFFFFF80, v62  }
0x73: {  	v3 =	vor.u32 v3, v4  }
0x74: {  	v4 =	vperm.xlane v3, v0;
	_ =	sdelay $0x1  }
0x75: {  	v4 =	vadd.s32 v1, v4;
	_ =	sdelay $0x4  }
0x76: {  	[tilespmem:s0], [sflag:$0x1] =	stream.indirect_vreg.gather [hbm4b:s1+s3], $0x80, v4, vm0, $0xb8;
	[tilespmem:$0x10080] =	vst v63  }
0x77: {  	_ = 	snop  }
0x78: {  	[tilespmem:s29], [sflag:$0x1] =	stream.indirect_vreg.gather [hbm4b:s4+s3], $0x80, v4, vm0, $0xb8;
	[tilespmem:$0x10080] =	vst v63  }
0x79: {  	_ = 	snop  }
0x7a: {  	[tilespmem:s30], [sflag:$0x1] =	stream.indirect_vreg.gather [hbm4b:s5+s3], $0x80, v4, vm0, $0xb8;
	[tilespmem:$0x10080] =	vst v63  }
0x7b: {  	_ = 	snop  }
0x7c: {  	[tilespmem:s31], [sflag:$0x1] =	stream.indirect_vreg.gather [hbm4b:s6+s3], $0x80, v4, vm0, $0xb8;
	[tilespmem:$0x10080] =	vst v63  }
0x7d: {  	s28 =	simm.s32 $0x2080  }
0x7e: {  	[tilespmem:s28], [sflag:$0x1] =	stream.indirect_vreg.gather [hbm4b:s7+s3], $0x80, v4, vm0, $0xb8;
	[tilespmem:$0x10080] =	vst v63  }
0x7f: {  	v3 =	vperm.xlane v3, v2  }
0x80: {  	[tilespmem:s2], [sflag:$0x1] =	stream.indirect_vreg.gather [hbm4b:s8+s3], $0x80, v4, vm0, $0xb8;
	[tilespmem:$0x10080] =	vst v63  }
0x81: {  	v3 =	vadd.s32 v1, v3  }
0x82: {  	[tilespmem:s14], [sflag:$0x1] =	stream.indirect_vreg.gather [hbm4b:s9+s3], $0x80, v4, vm0, $0xb8;
	[tilespmem:$0x10080] =	vst v63  }
0x83: {  	_ = 	snop  }
0x84: {  	[tilespmem:s15], [sflag:$0x1] =	stream.indirect_vreg.gather [hbm4b:s10+s3], $0x80, v4, vm0, $0xb8;
	[tilespmem:$0x10080] =	vst v63  }
0x85: {  	_ = 	snop  }
0x86: {  	[tilespmem:s16], [sflag:$0x1] =	stream.indirect_vreg.gather [hbm4b:s1+s3], $0x80, v3, vm0, $0xb8;
	[tilespmem:$0x10080] =	vst v63  }
0x87: {  	_ = 	snop  }
0x88: {  	[tilespmem:s17], [sflag:$0x1] =	stream.indirect_vreg.gather [hbm4b:s4+s3], $0x80, v3, vm0, $0xb8;
	[tilespmem:$0x10080] =	vst v63  }
0x89: {  	_ = 	snop  }
0x8a: {  	[tilespmem:s18], [sflag:$0x1] =	stream.indirect_vreg.gather [hbm4b:s5+s3], $0x80, v3, vm0, $0xb8;
	[tilespmem:$0x10080] =	vst v63  }
0x8b: {  	_ = 	snop  }
0x8c: {  	[tilespmem:s19], [sflag:$0x1] =	stream.indirect_vreg.gather [hbm4b:s6+s3], $0x80, v3, vm0, $0xb8;
	[tilespmem:$0x10080] =	vst v63  }
0x8d: {  	_ = 	snop  }
0x8e: {  	[tilespmem:s20], [sflag:$0x1] =	stream.indirect_vreg.gather [hbm4b:s7+s3], $0x80, v3, vm0, $0xb8;
	[tilespmem:$0x10080] =	vst v63  }
0x8f: {  	_ = 	snop  }
0x90: {  	[tilespmem:s21], [sflag:$0x1] =	stream.indirect_vreg.gather [hbm4b:s8+s3], $0x80, v3, vm0, $0xb8;
	[tilespmem:$0x10080] =	vst v63  }
0x91: {  	_ = 	snop  }
0x92: {  	[tilespmem:s22], [sflag:$0x1] =	stream.indirect_vreg.gather [hbm4b:s9+s3], $0x80, v3, vm0, $0xb8;
	[tilespmem:$0x10080] =	vst v63  }
0x93: {  	_ = 	snop  }
0x94: {  	[tilespmem:s23], [sflag:$0x1] =	stream.indirect_vreg.gather [hbm4b:s10+s3], $0x80, v3, vm0, $0xb8;
	[tilespmem:$0x10080] =	vst v63  }
0x95: {  	v3 =	vld [tilespmem:$0x10];
	_ =	sdelay $0x4  }
0x96: {  	v63 =	vshll.u32 v3, $0x4  }
0x97: {  	v3 =	vand.u32 $0x7, v3;
	v4 =	vand.u32 $0xFFFFFF80, v63  }
0x98: {  	v3 =	vor.u32 v3, v4  }
0x99: {  	v4 =	vperm.xlane v3, v0;
	_ =	sdelay $0x1  }
0x9a: {  	v4 =	vadd.s32 v1, v4;
	_ =	sdelay $0x4  }
0x9b: {  	[tilespmem:s24], [sflag:$0x1] =	stream.indirect_vreg.gather [hbm4b:s1+s3], $0x80, v4, vm0, $0xb8;
	[tilespmem:$0x10080] =	vst v63  }
0x9c: {  	_ = 	snop  }
0x9d: {  	[tilespmem:s25], [sflag:$0x1] =	stream.indirect_vreg.gather [hbm4b:s4+s3], $0x80, v4, vm0, $0xb8;
	[tilespmem:$0x10080] =	vst v63  }
0x9e: {  	_ = 	snop  }
0x9f: {  	[tilespmem:s13], [sflag:$0x1] =	stream.indirect_vreg.gather [hbm4b:s5+s3], $0x80, v4, vm0, $0xb8;
	[tilespmem:$0x10080] =	vst v63  }
0xa0: {  	s28 =	simm.s32 $0x9880  }
0xa1: {  	[tilespmem:s28], [sflag:$0x1] =	stream.indirect_vreg.gather [hbm4b:s6+s3], $0x80, v4, vm0, $0xb8;
	[tilespmem:$0x10080] =	vst v63  }
0xa2: {  	s28 =	simm.s32 $0xA080  }
0xa3: {  	[tilespmem:s28], [sflag:$0x1] =	stream.indirect_vreg.gather [hbm4b:s7+s3], $0x80, v4, vm0, $0xb8;
	[tilespmem:$0x10080] =	vst v63  }
0xa4: {  	v3 =	vperm.xlane v3, v2;
	s28 =	simm.s32 $0xA880  }
0xa5: {  	[tilespmem:s28], [sflag:$0x1] =	stream.indirect_vreg.gather [hbm4b:s8+s3], $0x80, v4, vm0, $0xb8;
	[tilespmem:$0x10080] =	vst v63  }
0xa6: {  	v3 =	vadd.s32 v1, v3;
	s28 =	simm.s32 $0xB080  }
0xa7: {  	[tilespmem:s28], [sflag:$0x1] =	stream.indirect_vreg.gather [hbm4b:s9+s3], $0x80, v4, vm0, $0xb8;
	[tilespmem:$0x10080] =	vst v63  }
0xa8: {  	s28 =	simm.s32 $0xB880  }
0xa9: {  	[tilespmem:s28], [sflag:$0x1] =	stream.indirect_vreg.gather [hbm4b:s10+s3], $0x80, v4, vm0, $0xb8;
	[tilespmem:$0x10080] =	vst v63  }
0xaa: {  	s28 =	simm.s32 $0xC080  }
0xab: {  	[tilespmem:s28], [sflag:$0x1] =	stream.indirect_vreg.gather [hbm4b:s1+s3], $0x80, v3, vm0, $0xb8;
	[tilespmem:$0x10080] =	vst v63  }
0xac: {  	s28 =	simm.s32 $0xC880  }
0xad: {  	[tilespmem:s28], [sflag:$0x1] =	stream.indirect_vreg.gather [hbm4b:s4+s3], $0x80, v3, vm0, $0xb8;
	[tilespmem:$0x10080] =	vst v63  }
0xae: {  	s28 =	simm.s32 $0xD080  }
0xaf: {  	[tilespmem:s28], [sflag:$0x1] =	stream.indirect_vreg.gather [hbm4b:s5+s3], $0x80, v3, vm0, $0xb8;
	[tilespmem:$0x10080] =	vst v63  }
0xb0: {  	s28 =	simm.s32 $0xD880  }
0xb1: {  	[tilespmem:s28], [sflag:$0x1] =	stream.indirect_vreg.gather [hbm4b:s6+s3], $0x80, v3, vm0, $0xb8;
	[tilespmem:$0x10080] =	vst v63  }
0xb2: {  	s28 =	simm.s32 $0xE080  }
0xb3: {  	[tilespmem:s28], [sflag:$0x1] =	stream.indirect_vreg.gather [hbm4b:s7+s3], $0x80, v3, vm0, $0xb8;
	[tilespmem:$0x10080] =	vst v63  }
0xb4: {  	s28 =	simm.s32 $0xE880  }
0xb5: {  	[tilespmem:s28], [sflag:$0x1] =	stream.indirect_vreg.gather [hbm4b:s8+s3], $0x80, v3, vm0, $0xb8;
	[tilespmem:$0x10080] =	vst v63  }
0xb6: {  	s28 =	simm.s32 $0xF080  }
0xb7: {  	[tilespmem:s28], [sflag:$0x1] =	stream.indirect_vreg.gather [hbm4b:s9+s3], $0x80, v3, vm0, $0xb8;
	[tilespmem:$0x10080] =	vst v63  }
0xb8: {  	s28 =	simm.s32 $0xF880  }
0xb9: {  	[tilespmem:s28], [sflag:$0x1] =	stream.indirect_vreg.gather [hbm4b:s10+s3], $0x80, v3, vm0, $0xb8;
	[tilespmem:$0x10080] =	vst v63  }
0xba: {  	_ =	swait.ge [sflag:s26], $0x10000  }
0xbb: {  	p0 =	sne.s32 s11, $0x1;
	[sflag:s26] =	ssyncset.done $0x0  }
.Ltmp0:
0xbc: {  	s2 =	rddreg [dreg:$0x7];
	[sflag:s26] =	ssyncadd.s32 $0xFFFF0000;
	(pc) =	sbr.rel @p0 .LBB2_1-.Ltmp0, $4  }
0xbd: {  	[hbm4b:s2+s3] =	stream.linear.scatter [tilespmem:s0], [sflag:$0x2], $0x10000, $0x38;
	[tilespmem:$0x10080] =	vst v63  }
0xbe: {  	_ =	swait.ge [sflag:s12], $0x10000  }
0xbf: {  	[sflag:s12] =	ssyncset.done $0x0  }
0xc0: {  	s11 =	sadd.s32 $0xFFFFFFFF, s11;
	[sflag:s12] =	ssyncadd.s32 $0xFFFF0000  }
0xc1: {  	_ =	sfence.sel $0x180000  }
0xc2: {  	[bflag:$0x0] =	sbarrier.arrive $0xFFFF  }
0xc3: {  	_ =	strace $0x90000047  }
0xc4: {  	s0 =	stileid.u32;
	[bflag:$0x2] =	sbarrier.arrive $0xFFFF  }
0xc5: {  	p0 =	sne.s32 s0, $0x0;
	s0 =	rddreg [dreg:$0x3]  }
0xc6: {  	s0 =	sadd.s32 @!p0 $0x100000, s0  }
0xc7: {  	[sflag:s0] =	ssyncadd.tile.s32 @!p0 $0x1;
	_ =	shalt  }
.Lfunc_end2:
_tile_overlayer_lowered:
.L_overlay_start_2:
0xc8: {  	(tag) =	ssettag $0x2  }
0xc9: {  	s0 =	rddreg [dreg:$0x0];
	s2 =	stileid.u32  }
0xca: {  	s1 =	rddreg [dreg:$0x1];
	p0 =	sne.s32 s2, $0x0  }
0xcb: {  	s3 =	rddreg [dreg:$0x2];
	[bflag:$0x3] =	sbarrier.arrive $0xFFFF;
	s2 =	simm.s32 @!p0 $0x1C02  }
0xcc: {  	[timem:s3], [sflag:s2] =	dma.local @!p0 [hbm:s0], s1  }
0xcd: {  	s0 =	simm.s32 @!p0 $0x2  }
0xce: {  	_ =	swait.ge @!p0 [sflag:s0], s1  }
0xcf: {  	s1 =	ssub.s32 @!p0 $0x0, s1;
	[sflag:s0] =	ssyncset.done @!p0 $0x0  }
0xd0: {  	[sflag:s0] =	ssyncadd.s32 @!p0 s1  }
0xd1: {  	[bflag:$0x3] =	sbarrier.arrive $0xFFFF  }
0xd2: {  	_ =	shalt  }

</sc_bundles>
